<compile_context>
chip_gen: v7x
topology: tpu7x:2x2x1
jax: 0.10.2.dev20260603
libtpu: 0.0.44.dev20260713+nightly
codegen_flags: <defaults>
</compile_context>

<pallas_src>
import functools

import jax
import jax.numpy as jnp
from jax import lax
from jax.experimental import pallas as pl
from jax.experimental.pallas import tpu as pltpu
from jax.experimental.pallas import tpu_sc as plsc

_NC = 2
_NS = 16
_NW = _NC * _NS

_CHUNK = 128
_SUP = 2
_ROWS = _CHUNK * _SUP
_NBUF = 4


@functools.lru_cache(maxsize=None)
def _make_gather(B: int, V: int, D: int):
    assert B % (_NW * _ROWS * _NBUF) == 0
    b_per_w = B // _NW
    n_sup = b_per_w // _ROWS
    assert n_sup % _NBUF == 0 and n_sup >= 2 * _NBUF

    mesh = plsc.VectorSubcoreMesh(
        core_axis_name="c", subcore_axis_name="s",
        num_cores=_NC, num_subcores=_NS,
    )

    @functools.partial(
        pl.kernel,
        out_type=jax.ShapeDtypeStruct((B, D), jnp.float32),
        mesh=mesh,
        scratch_types=[
            pltpu.VMEM((b_per_w,), jnp.int32),
            [pltpu.VMEM((_ROWS, D), jnp.float32) for _ in range(_NBUF)],
            [pltpu.SemaphoreType.DMA for _ in range(_NBUF)],
            [pltpu.SemaphoreType.DMA for _ in range(_NBUF)],
        ],
        compiler_params=pltpu.CompilerParams(use_tc_tiling_on_sc=False),
    )
    def gather_kernel(idx_hbm, table_hbm, out_hbm, idx_v, rows, sem_g, sem_o):
        wid = lax.axis_index("s") * _NC + lax.axis_index("c")
        base = wid * b_per_w

        pltpu.sync_copy(idx_hbm.at[pl.ds(base, b_per_w)], idx_v)

        def gather_descs(s, b):
            return [
                pltpu.make_async_copy(
                    table_hbm.at[idx_v.at[pl.ds(s * _ROWS + c * _CHUNK, _CHUNK)]],
                    rows[b].at[pl.ds(c * _CHUNK, _CHUNK)],
                    sem_g[b],
                )
                for c in range(_SUP)
            ]

        def out_desc(s, b):
            return pltpu.make_async_copy(
                rows[b], out_hbm.at[pl.ds(base + s * _ROWS, _ROWS)], sem_o[b]
            )

        def issue_gathers(s, b):
            for d in gather_descs(s, b):
                d.start()

        def wait_gathers(s, b):
            for d in gather_descs(s, b):
                d.wait()

        issue_gathers(0, 0)
        issue_gathers(1, 1)
        wait_gathers(0, 0)
        out_desc(0, 0).start()
        issue_gathers(2, 2)
        wait_gathers(1, 1)
        out_desc(1, 1).start()
        issue_gathers(3, 3)

        def block(g, carry):
            for b in range(_NBUF):
                s = _NBUF + g * _NBUF + b
                out_desc(s - _NBUF, b).wait()
                issue_gathers(s, b)
                bq = (b + _NBUF - 2) % _NBUF
                wait_gathers(s - 2, bq)
                out_desc(s - 2, bq).start()
            return carry

        lax.fori_loop(0, n_sup // _NBUF - 1, block, 0)

        for s in (n_sup - 2, n_sup - 1):
            b = s % _NBUF
            wait_gathers(s, b)
            out_desc(s, b).start()
        for s in range(n_sup - _NBUF, n_sup):
            out_desc(s, s % _NBUF).wait()

    return gather_kernel


def kernel(input, weight):
    bsz, hist = input.shape
    V, D = weight.shape
    idx = input.reshape(-1).astype(jnp.int32)
    out = _make_gather(idx.shape[0], V, D)(idx, weight)
    return out.reshape(bsz, hist, D)

# --- scband reference (transcript-rebuilt; emitter-appended) ---
"""Pipeline reference for scband-embed-57294863729231 (READ-ONLY COPY).

The authoritative reference and input builder live on the scoring server;
editing this copy changes nothing except your own understanding.
"""

import jax, jax.numpy as jnp
import numpy as np

NTOKEN = 1000000
NINP = 64
BATCH = 16384
HIST = 50
PAD_IDX = 0

def setup_inputs(seed: int = 0) -> dict:
    key = jax.random.key(seed)
    k_w, k_i = jax.random.split(key)
    # nn.Embedding default init: N(0, 1)
    weight = jax.random.normal(k_w, (NTOKEN, NINP), dtype=jnp.float32)
    # __init__ zeros the <pad> row (dictionary.word2idx['<pad>'] == 0)
    weight = weight.at[PAD_IDX].set(0.0)
    inp = jax.random.randint(k_i, (BATCH, HIST), 0, NTOKEN, dtype=jnp.int64)
    return {"input": inp, "weight": weight}

def reference(input, weight):
    # forward with norm=False (default): plain embedding lookup
    return jnp.take(weight, input, axis=0)

if __name__ == "__main__":
    import jax
    _d = setup_inputs()
    print(jax.jit(kernel)(*tuple(_d.values())))

</pallas_src>

<mosaic_0001>
#map = affine_map<(d0, d1) -> (0)>
#map1 = affine_map<(d0, d1) -> (0, 0)>
module attributes {stable_mosaic.version = 14 : i64} {
  func.func @gather_kernel(%arg0: i32, %arg1: i32, %arg2: memref<819200xi32, #tpu.memory_space<hbm>>, %arg3: memref<1000000x64xf32, #tpu.memory_space<hbm>>, %arg4: memref<819200x64xf32, #tpu.memory_space<hbm>>, %arg5: memref<25600xi32, #tpu.memory_space<vmem>>, %arg6: memref<256x64xf32, #tpu.memory_space<vmem>>, %arg7: memref<256x64xf32, #tpu.memory_space<vmem>>, %arg8: memref<256x64xf32, #tpu.memory_space<vmem>>, %arg9: memref<256x64xf32, #tpu.memory_space<vmem>>, %arg10: memref<!tpu.dma_semaphore, #tpu.memory_space<semaphore_mem>>, %arg11: memref<!tpu.dma_semaphore, #tpu.memory_space<semaphore_mem>>, %arg12: memref<!tpu.dma_semaphore, #tpu.memory_space<semaphore_mem>>, %arg13: memref<!tpu.dma_semaphore, #tpu.memory_space<semaphore_mem>>, %arg14: memref<!tpu.dma_semaphore, #tpu.memory_space<semaphore_mem>>, %arg15: memref<!tpu.dma_semaphore, #tpu.memory_space<semaphore_mem>>, %arg16: memref<!tpu.dma_semaphore, #tpu.memory_space<semaphore_mem>>, %arg17: memref<!tpu.dma_semaphore, #tpu.memory_space<semaphore_mem>>) attributes {dimension_semantics = [#tpu.dimension_semantics<core_parallel>, #tpu.dimension_semantics<subcore_parallel>], iteration_bounds = array<i64: 2, 16>, scalar_prefetch = 0 : i64, scratch_operands = 13 : i64, tpu.core_type = #tpu.core_type<sc_vector_subcore>, window_params = [{transform_indices = #map}, {transform_indices = #map1}, {transform_indices = #map1}]} {
    %mul3A = arith.constant 2 : i32
    %mul3A_0 = arith.muli %arg1, %mul3A : i32
    %add3A = arith.addi %mul3A_0, %arg0 : i32
    %mul3A_1 = arith.constant 25600 : i32
    %mul3A_2 = arith.muli %add3A, %mul3A_1 : i32
    "tpu.region"() ({
      %run_scoped3A = tpu.sem_alloc : memref<!tpu.dma_semaphore, #tpu.memory_space<semaphore_mem>>
      %dma_start3A_182 = tpu.memref_slice %arg2[%mul3A_2] : memref<819200xi32, #tpu.memory_space<hbm>> -> memref<25600xi32, #tpu.memory_space<hbm>>
      %dma_start3A_183 = tpu.memref_slice %arg2[%mul3A_2] : memref<819200xi32, #tpu.memory_space<hbm>> -> memref<25600xi32, #tpu.memory_space<hbm>>
      tpu.enqueue_dma source(%dma_start3A_183 : memref<25600xi32, #tpu.memory_space<hbm>>) target(%arg5 : memref<25600xi32, #tpu.memory_space<vmem>>) target_semaphore(%run_scoped3A : memref<!tpu.dma_semaphore, #tpu.memory_space<semaphore_mem>>)
      %dma_wait3A_184 = tpu.memref_slice %arg2[%mul3A_2] : memref<819200xi32, #tpu.memory_space<hbm>> -> memref<25600xi32, #tpu.memory_space<hbm>>
      %dma_wait3A_185 = tpu.memref_slice %arg2[%mul3A_2] : memref<819200xi32, #tpu.memory_space<hbm>> -> memref<25600xi32, #tpu.memory_space<hbm>>
      tpu.wait_dma2 semaphore(%run_scoped3A : memref<!tpu.dma_semaphore, #tpu.memory_space<semaphore_mem>>) src(%dma_wait3A_185 : memref<25600xi32, #tpu.memory_space<hbm>>) dst(%arg5 : memref<25600xi32, #tpu.memory_space<vmem>>)
      tpu.yield
    }) : () -> ()
    %dma_start3A = arith.constant 0 : i32
    %dma_start3A_3 = arith.constant 0 : i32
    %dma_start3A_4 = tpu.memref_slice %arg6[%dma_start3A, %dma_start3A_3] : memref<256x64xf32, #tpu.memory_space<vmem>> -> memref<128x64xf32, #tpu.memory_space<vmem>>
    %dma_start3A_5 = arith.constant 0 : i32
    %dma_start3A_6 = tpu.memref_slice %arg5[%dma_start3A_5] : memref<25600xi32, #tpu.memory_space<vmem>> -> memref<128xi32, #tpu.memory_space<vmem>>
    %dma_start3A_7 = arith.constant 0 : i32
    %dma_start3A_8 = arith.constant 0 : i32
    %dma_start3A_9 = tpu.memref_slice %arg3[%dma_start3A_7, %dma_start3A_8] : memref<1000000x64xf32, #tpu.memory_space<hbm>> -> memref<1000000x64xf32, #tpu.memory_space<hbm>>
    tpu.enqueue_indirect_dma source(%dma_start3A_9 : memref<1000000x64xf32, #tpu.memory_space<hbm>>) target(%dma_start3A_4 : memref<128x64xf32, #tpu.memory_space<vmem>>) offsets(%dma_start3A_6 : memref<128xi32, #tpu.memory_space<vmem>>) semaphore(%arg10 : memref<!tpu.dma_semaphore, #tpu.memory_space<semaphore_mem>>)
    %dma_start3A_10 = arith.constant 128 : i32
    %dma_start3A_11 = arith.constant 0 : i32
    %dma_start3A_12 = tpu.memref_slice %arg6[%dma_start3A_10, %dma_start3A_11] : memref<256x64xf32, #tpu.memory_space<vmem>> -> memref<128x64xf32, #tpu.memory_space<vmem>>
    %dma_start3A_13 = arith.constant 128 : i32
    %dma_start3A_14 = tpu.memref_slice %arg5[%dma_start3A_13] : memref<25600xi32, #tpu.memory_space<vmem>> -> memref<128xi32, #tpu.memory_space<vmem>>
    %dma_start3A_15 = arith.constant 0 : i32
    %dma_start3A_16 = arith.constant 0 : i32
    %dma_start3A_17 = tpu.memref_slice %arg3[%dma_start3A_15, %dma_start3A_16] : memref<1000000x64xf32, #tpu.memory_space<hbm>> -> memref<1000000x64xf32, #tpu.memory_space<hbm>>
    tpu.enqueue_indirect_dma source(%dma_start3A_17 : memref<1000000x64xf32, #tpu.memory_space<hbm>>) target(%dma_start3A_12 : memref<128x64xf32, #tpu.memory_space<vmem>>) offsets(%dma_start3A_14 : memref<128xi32, #tpu.memory_space<vmem>>) semaphore(%arg10 : memref<!tpu.dma_semaphore, #tpu.memory_space<semaphore_mem>>)
    %dma_start3A_18 = arith.constant 0 : i32
    %dma_start3A_19 = arith.constant 0 : i32
    %dma_start3A_20 = tpu.memref_slice %arg7[%dma_start3A_18, %dma_start3A_19] : memref<256x64xf32, #tpu.memory_space<vmem>> -> memref<128x64xf32, #tpu.memory_space<vmem>>
    %dma_start3A_21 = arith.constant 256 : i32
    %dma_start3A_22 = tpu.memref_slice %arg5[%dma_start3A_21] : memref<25600xi32, #tpu.memory_space<vmem>> -> memref<128xi32, #tpu.memory_space<vmem>>
    %dma_start3A_23 = arith.constant 0 : i32
    %dma_start3A_24 = arith.constant 0 : i32
    %dma_start3A_25 = tpu.memref_slice %arg3[%dma_start3A_23, %dma_start3A_24] : memref<1000000x64xf32, #tpu.memory_space<hbm>> -> memref<1000000x64xf32, #tpu.memory_space<hbm>>
    tpu.enqueue_indirect_dma source(%dma_start3A_25 : memref<1000000x64xf32, #tpu.memory_space<hbm>>) target(%dma_start3A_20 : memref<128x64xf32, #tpu.memory_space<vmem>>) offsets(%dma_start3A_22 : memref<128xi32, #tpu.memory_space<vmem>>) semaphore(%arg11 : memref<!tpu.dma_semaphore, #tpu.memory_space<semaphore_mem>>)
    %dma_start3A_26 = arith.constant 128 : i32
    %dma_start3A_27 = arith.constant 0 : i32
    %dma_start3A_28 = tpu.memref_slice %arg7[%dma_start3A_26, %dma_start3A_27] : memref<256x64xf32, #tpu.memory_space<vmem>> -> memref<128x64xf32, #tpu.memory_space<vmem>>
    %dma_start3A_29 = arith.constant 384 : i32
    %dma_start3A_30 = tpu.memref_slice %arg5[%dma_start3A_29] : memref<25600xi32, #tpu.memory_space<vmem>> -> memref<128xi32, #tpu.memory_space<vmem>>
    %dma_start3A_31 = arith.constant 0 : i32
    %dma_start3A_32 = arith.constant 0 : i32
    %dma_start3A_33 = tpu.memref_slice %arg3[%dma_start3A_31, %dma_start3A_32] : memref<1000000x64xf32, #tpu.memory_space<hbm>> -> memref<1000000x64xf32, #tpu.memory_space<hbm>>
    tpu.enqueue_indirect_dma source(%dma_start3A_33 : memref<1000000x64xf32, #tpu.memory_space<hbm>>) target(%dma_start3A_28 : memref<128x64xf32, #tpu.memory_space<vmem>>) offsets(%dma_start3A_30 : memref<128xi32, #tpu.memory_space<vmem>>) semaphore(%arg11 : memref<!tpu.dma_semaphore, #tpu.memory_space<semaphore_mem>>)
    %dma_wait3A = arith.constant 0 : i32
    %dma_wait3A_34 = arith.constant 0 : i32
    %dma_wait3A_35 = tpu.memref_slice %arg6[%dma_wait3A, %dma_wait3A_34] : memref<256x64xf32, #tpu.memory_space<vmem>> -> memref<128x64xf32, #tpu.memory_space<vmem>>
    %dma_wait3A_36 = arith.constant 0 : i32
    %dma_wait3A_37 = tpu.memref_slice %arg5[%dma_wait3A_36] : memref<25600xi32, #tpu.memory_space<vmem>> -> memref<128xi32, #tpu.memory_space<vmem>>
    %dma_wait3A_38 = arith.constant 0 : i32
    %dma_wait3A_39 = arith.constant 0 : i32
    %dma_wait3A_40 = tpu.memref_slice %arg3[%dma_wait3A_38, %dma_wait3A_39] : memref<1000000x64xf32, #tpu.memory_space<hbm>> -> memref<1000000x64xf32, #tpu.memory_space<hbm>>
    tpu.wait_indirect_dma semaphore(%arg10 : memref<!tpu.dma_semaphore, #tpu.memory_space<semaphore_mem>>) src(%dma_wait3A_40 : memref<1000000x64xf32, #tpu.memory_space<hbm>>) dst(%dma_wait3A_35 : memref<128x64xf32, #tpu.memory_space<vmem>>)
    %dma_wait3A_41 = arith.constant 128 : i32
    %dma_wait3A_42 = arith.constant 0 : i32
    %dma_wait3A_43 = tpu.memref_slice %arg6[%dma_wait3A_41, %dma_wait3A_42] : memref<256x64xf32, #tpu.memory_space<vmem>> -> memref<128x64xf32, #tpu.memory_space<vmem>>
    %dma_wait3A_44 = arith.constant 128 : i32
    %dma_wait3A_45 = tpu.memref_slice %arg5[%dma_wait3A_44] : memref<25600xi32, #tpu.memory_space<vmem>> -> memref<128xi32, #tpu.memory_space<vmem>>
    %dma_wait3A_46 = arith.constant 0 : i32
    %dma_wait3A_47 = arith.constant 0 : i32
    %dma_wait3A_48 = tpu.memref_slice %arg3[%dma_wait3A_46, %dma_wait3A_47] : memref<1000000x64xf32, #tpu.memory_space<hbm>> -> memref<1000000x64xf32, #tpu.memory_space<hbm>>
    tpu.wait_indirect_dma semaphore(%arg10 : memref<!tpu.dma_semaphore, #tpu.memory_space<semaphore_mem>>) src(%dma_wait3A_48 : memref<1000000x64xf32, #tpu.memory_space<hbm>>) dst(%dma_wait3A_43 : memref<128x64xf32, #tpu.memory_space<vmem>>)
    %add3A_49 = arith.constant 0 : i32
    %add3A_50 = arith.addi %mul3A_2, %add3A_49 : i32
    %dma_start3A_51 = arith.constant 0 : i32
    %dma_start3A_52 = tpu.memref_slice %arg4[%add3A_50, %dma_start3A_51] : memref<819200x64xf32, #tpu.memory_space<hbm>> -> memref<256x64xf32, #tpu.memory_space<hbm>>
    %dma_start3A_53 = arith.constant 0 : i32
    %dma_start3A_54 = tpu.memref_slice %arg4[%add3A_50, %dma_start3A_53] : memref<819200x64xf32, #tpu.memory_space<hbm>> -> memref<256x64xf32, #tpu.memory_space<hbm>>
    tpu.enqueue_dma source(%arg6 : memref<256x64xf32, #tpu.memory_space<vmem>>) target(%dma_start3A_54 : memref<256x64xf32, #tpu.memory_space<hbm>>) target_semaphore(%arg14 : memref<!tpu.dma_semaphore, #tpu.memory_space<semaphore_mem>>)
    %dma_start3A_55 = arith.constant 0 : i32
    %dma_start3A_56 = arith.constant 0 : i32
    %dma_start3A_57 = tpu.memref_slice %arg8[%dma_start3A_55, %dma_start3A_56] : memref<256x64xf32, #tpu.memory_space<vmem>> -> memref<128x64xf32, #tpu.memory_space<vmem>>
    %dma_start3A_58 = arith.constant 512 : i32
    %dma_start3A_59 = tpu.memref_slice %arg5[%dma_start3A_58] : memref<25600xi32, #tpu.memory_space<vmem>> -> memref<128xi32, #tpu.memory_space<vmem>>
    %dma_start3A_60 = arith.constant 0 : i32
    %dma_start3A_61 = arith.constant 0 : i32
    %dma_start3A_62 = tpu.memref_slice %arg3[%dma_start3A_60, %dma_start3A_61] : memref<1000000x64xf32, #tpu.memory_space<hbm>> -> memref<1000000x64xf32, #tpu.memory_space<hbm>>
    tpu.enqueue_indirect_dma source(%dma_start3A_62 : memref<1000000x64xf32, #tpu.memory_space<hbm>>) target(%dma_start3A_57 : memref<128x64xf32, #tpu.memory_space<vmem>>) offsets(%dma_start3A_59 : memref<128xi32, #tpu.memory_space<vmem>>) semaphore(%arg12 : memref<!tpu.dma_semaphore, #tpu.memory_space<semaphore_mem>>)
    %dma_start3A_63 = arith.constant 128 : i32
    %dma_start3A_64 = arith.constant 0 : i32
    %dma_start3A_65 = tpu.memref_slice %arg8[%dma_start3A_63, %dma_start3A_64] : memref<256x64xf32, #tpu.memory_space<vmem>> -> memref<128x64xf32, #tpu.memory_space<vmem>>
    %dma_start3A_66 = arith.constant 640 : i32
    %dma_start3A_67 = tpu.memref_slice %arg5[%dma_start3A_66] : memref<25600xi32, #tpu.memory_space<vmem>> -> memref<128xi32, #tpu.memory_space<vmem>>
    %dma_start3A_68 = arith.constant 0 : i32
    %dma_start3A_69 = arith.constant 0 : i32
    %dma_start3A_70 = tpu.memref_slice %arg3[%dma_start3A_68, %dma_start3A_69] : memref<1000000x64xf32, #tpu.memory_space<hbm>> -> memref<1000000x64xf32, #tpu.memory_space<hbm>>
    tpu.enqueue_indirect_dma source(%dma_start3A_70 : memref<1000000x64xf32, #tpu.memory_space<hbm>>) target(%dma_start3A_65 : memref<128x64xf32, #tpu.memory_space<vmem>>) offsets(%dma_start3A_67 : memref<128xi32, #tpu.memory_space<vmem>>) semaphore(%arg12 : memref<!tpu.dma_semaphore, #tpu.memory_space<semaphore_mem>>)
    %dma_wait3A_71 = arith.constant 0 : i32
    %dma_wait3A_72 = arith.constant 0 : i32
    %dma_wait3A_73 = tpu.memref_slice %arg7[%dma_wait3A_71, %dma_wait3A_72] : memref<256x64xf32, #tpu.memory_space<vmem>> -> memref<128x64xf32, #tpu.memory_space<vmem>>
    %dma_wait3A_74 = arith.constant 256 : i32
    %dma_wait3A_75 = tpu.memref_slice %arg5[%dma_wait3A_74] : memref<25600xi32, #tpu.memory_space<vmem>> -> memref<128xi32, #tpu.memory_space<vmem>>
    %dma_wait3A_76 = arith.constant 0 : i32
    %dma_wait3A_77 = arith.constant 0 : i32
    %dma_wait3A_78 = tpu.memref_slice %arg3[%dma_wait3A_76, %dma_wait3A_77] : memref<1000000x64xf32, #tpu.memory_space<hbm>> -> memref<1000000x64xf32, #tpu.memory_space<hbm>>
    tpu.wait_indirect_dma semaphore(%arg11 : memref<!tpu.dma_semaphore, #tpu.memory_space<semaphore_mem>>) src(%dma_wait3A_78 : memref<1000000x64xf32, #tpu.memory_space<hbm>>) dst(%dma_wait3A_73 : memref<128x64xf32, #tpu.memory_space<vmem>>)
    %dma_wait3A_79 = arith.constant 128 : i32
    %dma_wait3A_80 = arith.constant 0 : i32
    %dma_wait3A_81 = tpu.memref_slice %arg7[%dma_wait3A_79, %dma_wait3A_80] : memref<256x64xf32, #tpu.memory_space<vmem>> -> memref<128x64xf32, #tpu.memory_space<vmem>>
    %dma_wait3A_82 = arith.constant 384 : i32
    %dma_wait3A_83 = tpu.memref_slice %arg5[%dma_wait3A_82] : memref<25600xi32, #tpu.memory_space<vmem>> -> memref<128xi32, #tpu.memory_space<vmem>>
    %dma_wait3A_84 = arith.constant 0 : i32
    %dma_wait3A_85 = arith.constant 0 : i32
    %dma_wait3A_86 = tpu.memref_slice %arg3[%dma_wait3A_84, %dma_wait3A_85] : memref<1000000x64xf32, #tpu.memory_space<hbm>> -> memref<1000000x64xf32, #tpu.memory_space<hbm>>
    tpu.wait_indirect_dma semaphore(%arg11 : memref<!tpu.dma_semaphore, #tpu.memory_space<semaphore_mem>>) src(%dma_wait3A_86 : memref<1000000x64xf32, #tpu.memory_space<hbm>>) dst(%dma_wait3A_81 : memref<128x64xf32, #tpu.memory_space<vmem>>)
    %add3A_87 = arith.constant 256 : i32
    %add3A_88 = arith.addi %mul3A_2, %add3A_87 : i32
    %dma_start3A_89 = arith.constant 0 : i32
    %dma_start3A_90 = tpu.memref_slice %arg4[%add3A_88, %dma_start3A_89] : memref<819200x64xf32, #tpu.memory_space<hbm>> -> memref<256x64xf32, #tpu.memory_space<hbm>>
    %dma_start3A_91 = arith.constant 0 : i32
    %dma_start3A_92 = tpu.memref_slice %arg4[%add3A_88, %dma_start3A_91] : memref<819200x64xf32, #tpu.memory_space<hbm>> -> memref<256x64xf32, #tpu.memory_space<hbm>>
    tpu.enqueue_dma source(%arg7 : memref<256x64xf32, #tpu.memory_space<vmem>>) target(%dma_start3A_92 : memref<256x64xf32, #tpu.memory_space<hbm>>) target_semaphore(%arg15 : memref<!tpu.dma_semaphore, #tpu.memory_space<semaphore_mem>>)
    %dma_start3A_93 = arith.constant 0 : i32
    %dma_start3A_94 = arith.constant 0 : i32
    %dma_start3A_95 = tpu.memref_slice %arg9[%dma_start3A_93, %dma_start3A_94] : memref<256x64xf32, #tpu.memory_space<vmem>> -> memref<128x64xf32, #tpu.memory_space<vmem>>
    %dma_start3A_96 = arith.constant 768 : i32
    %dma_start3A_97 = tpu.memref_slice %arg5[%dma_start3A_96] : memref<25600xi32, #tpu.memory_space<vmem>> -> memref<128xi32, #tpu.memory_space<vmem>>
    %dma_start3A_98 = arith.constant 0 : i32
    %dma_start3A_99 = arith.constant 0 : i32
    %dma_start3A_100 = tpu.memref_slice %arg3[%dma_start3A_98, %dma_start3A_99] : memref<1000000x64xf32, #tpu.memory_space<hbm>> -> memref<1000000x64xf32, #tpu.memory_space<hbm>>
    tpu.enqueue_indirect_dma source(%dma_start3A_100 : memref<1000000x64xf32, #tpu.memory_space<hbm>>) target(%dma_start3A_95 : memref<128x64xf32, #tpu.memory_space<vmem>>) offsets(%dma_start3A_97 : memref<128xi32, #tpu.memory_space<vmem>>) semaphore(%arg13 : memref<!tpu.dma_semaphore, #tpu.memory_space<semaphore_mem>>)
    %dma_start3A_101 = arith.constant 128 : i32
    %dma_start3A_102 = arith.constant 0 : i32
    %dma_start3A_103 = tpu.memref_slice %arg9[%dma_start3A_101, %dma_start3A_102] : memref<256x64xf32, #tpu.memory_space<vmem>> -> memref<128x64xf32, #tpu.memory_space<vmem>>
    %dma_start3A_104 = arith.constant 896 : i32
    %dma_start3A_105 = tpu.memref_slice %arg5[%dma_start3A_104] : memref<25600xi32, #tpu.memory_space<vmem>> -> memref<128xi32, #tpu.memory_space<vmem>>
    %dma_start3A_106 = arith.constant 0 : i32
    %dma_start3A_107 = arith.constant 0 : i32
    %dma_start3A_108 = tpu.memref_slice %arg3[%dma_start3A_106, %dma_start3A_107] : memref<1000000x64xf32, #tpu.memory_space<hbm>> -> memref<1000000x64xf32, #tpu.memory_space<hbm>>
    tpu.enqueue_indirect_dma source(%dma_start3A_108 : memref<1000000x64xf32, #tpu.memory_space<hbm>>) target(%dma_start3A_103 : memref<128x64xf32, #tpu.memory_space<vmem>>) offsets(%dma_start3A_105 : memref<128xi32, #tpu.memory_space<vmem>>) semaphore(%arg13 : memref<!tpu.dma_semaphore, #tpu.memory_space<semaphore_mem>>)
    %scan3A = arith.constant 0 : i32
    %scan3A_109 = arith.constant 0 : i32
    %scan3A_110 = arith.constant 24 : i32
    %scan3A_111 = arith.addi %scan3A_109, %scan3A_110 : i32
    %scan3A_112 = arith.constant 1 : i32
    scf.for %scan3A_182 = %scan3A_109 to %scan3A_111 step %scan3A_112  : i32 {
      %mul3A_183 = arith.constant 4 : i32
      %mul3A_184 = arith.muli %scan3A_182, %mul3A_183 : i32
      %add3A_185 = arith.constant 4 : i32
      %add3A_186 = arith.addi %add3A_185, %mul3A_184 : i32
      %add3A_187 = arith.constant 0 : i32
      %add3A_188 = arith.addi %add3A_186, %add3A_187 : i32
      %sub3A = arith.constant 4 : i32
      %sub3A_189 = arith.subi %add3A_188, %sub3A : i32
      %mul3A_190 = arith.constant 256 : i32
      %mul3A_191 = arith.muli %sub3A_189, %mul3A_190 : i32
      %add3A_192 = arith.addi %mul3A_2, %mul3A_191 : i32
      %dma_wait3A_193 = arith.constant 0 : i32
      %dma_wait3A_194 = tpu.memref_slice %arg4[%add3A_192, %dma_wait3A_193] : memref<819200x64xf32, #tpu.memory_space<hbm>> -> memref<256x64xf32, #tpu.memory_space<hbm>>
      %dma_wait3A_195 = arith.constant 0 : i32
      %dma_wait3A_196 = tpu.memref_slice %arg4[%add3A_192, %dma_wait3A_195] : memref<819200x64xf32, #tpu.memory_space<hbm>> -> memref<256x64xf32, #tpu.memory_space<hbm>>
      tpu.wait_dma2 semaphore(%arg14 : memref<!tpu.dma_semaphore, #tpu.memory_space<semaphore_mem>>) src(%arg6 : memref<256x64xf32, #tpu.memory_space<vmem>>) dst(%dma_wait3A_196 : memref<256x64xf32, #tpu.memory_space<hbm>>)
      %mul3A_197 = arith.constant 256 : i32
      %mul3A_198 = arith.muli %add3A_188, %mul3A_197 : i32
      %add3A_199 = arith.constant 0 : i32
      %add3A_200 = arith.addi %mul3A_198, %add3A_199 : i32
      %mul3A_201 = arith.constant 256 : i32
      %mul3A_202 = arith.muli %add3A_188, %mul3A_201 : i32
      %add3A_203 = arith.constant 128 : i32
      %add3A_204 = arith.addi %mul3A_202, %add3A_203 : i32
      %dma_start3A_205 = arith.constant 0 : i32
      %dma_start3A_206 = arith.constant 0 : i32
      %dma_start3A_207 = tpu.memref_slice %arg6[%dma_start3A_205, %dma_start3A_206] : memref<256x64xf32, #tpu.memory_space<vmem>> -> memref<128x64xf32, #tpu.memory_space<vmem>>
      %dma_start3A_208 = tpu.memref_slice %arg5[%add3A_200] : memref<25600xi32, #tpu.memory_space<vmem>> -> memref<128xi32, #tpu.memory_space<vmem>>
      %dma_start3A_209 = arith.constant 0 : i32
      %dma_start3A_210 = arith.constant 0 : i32
      %dma_start3A_211 = tpu.memref_slice %arg3[%dma_start3A_209, %dma_start3A_210] : memref<1000000x64xf32, #tpu.memory_space<hbm>> -> memref<1000000x64xf32, #tpu.memory_space<hbm>>
      tpu.enqueue_indirect_dma source(%dma_start3A_211 : memref<1000000x64xf32, #tpu.memory_space<hbm>>) target(%dma_start3A_207 : memref<128x64xf32, #tpu.memory_space<vmem>>) offsets(%dma_start3A_208 : memref<128xi32, #tpu.memory_space<vmem>>) semaphore(%arg10 : memref<!tpu.dma_semaphore, #tpu.memory_space<semaphore_mem>>)
      %dma_start3A_212 = arith.constant 128 : i32
      %dma_start3A_213 = arith.constant 0 : i32
      %dma_start3A_214 = tpu.memref_slice %arg6[%dma_start3A_212, %dma_start3A_213] : memref<256x64xf32, #tpu.memory_space<vmem>> -> memref<128x64xf32, #tpu.memory_space<vmem>>
      %dma_start3A_215 = tpu.memref_slice %arg5[%add3A_204] : memref<25600xi32, #tpu.memory_space<vmem>> -> memref<128xi32, #tpu.memory_space<vmem>>
      %dma_start3A_216 = arith.constant 0 : i32
      %dma_start3A_217 = arith.constant 0 : i32
      %dma_start3A_218 = tpu.memref_slice %arg3[%dma_start3A_216, %dma_start3A_217] : memref<1000000x64xf32, #tpu.memory_space<hbm>> -> memref<1000000x64xf32, #tpu.memory_space<hbm>>
      tpu.enqueue_indirect_dma source(%dma_start3A_218 : memref<1000000x64xf32, #tpu.memory_space<hbm>>) target(%dma_start3A_214 : memref<128x64xf32, #tpu.memory_space<vmem>>) offsets(%dma_start3A_215 : memref<128xi32, #tpu.memory_space<vmem>>) semaphore(%arg10 : memref<!tpu.dma_semaphore, #tpu.memory_space<semaphore_mem>>)
      %sub3A_219 = arith.constant 2 : i32
      %sub3A_220 = arith.subi %add3A_188, %sub3A_219 : i32
      %mul3A_221 = arith.constant 256 : i32
      %mul3A_222 = arith.muli %sub3A_220, %mul3A_221 : i32
      %add3A_223 = arith.constant 0 : i32
      %add3A_224 = arith.addi %mul3A_222, %add3A_223 : i32
      %mul3A_225 = arith.constant 256 : i32
      %mul3A_226 = arith.muli %sub3A_220, %mul3A_225 : i32
      %add3A_227 = arith.constant 128 : i32
      %add3A_228 = arith.addi %mul3A_226, %add3A_227 : i32
      %dma_wait3A_229 = arith.constant 0 : i32
      %dma_wait3A_230 = arith.constant 0 : i32
      %dma_wait3A_231 = tpu.memref_slice %arg8[%dma_wait3A_229, %dma_wait3A_230] : memref<256x64xf32, #tpu.memory_space<vmem>> -> memref<128x64xf32, #tpu.memory_space<vmem>>
      %dma_wait3A_232 = tpu.memref_slice %arg5[%add3A_224] : memref<25600xi32, #tpu.memory_space<vmem>> -> memref<128xi32, #tpu.memory_space<vmem>>
      %dma_wait3A_233 = arith.constant 0 : i32
      %dma_wait3A_234 = arith.constant 0 : i32
      %dma_wait3A_235 = tpu.memref_slice %arg3[%dma_wait3A_233, %dma_wait3A_234] : memref<1000000x64xf32, #tpu.memory_space<hbm>> -> memref<1000000x64xf32, #tpu.memory_space<hbm>>
      tpu.wait_indirect_dma semaphore(%arg12 : memref<!tpu.dma_semaphore, #tpu.memory_space<semaphore_mem>>) src(%dma_wait3A_235 : memref<1000000x64xf32, #tpu.memory_space<hbm>>) dst(%dma_wait3A_231 : memref<128x64xf32, #tpu.memory_space<vmem>>)
      %dma_wait3A_236 = arith.constant 128 : i32
      %dma_wait3A_237 = arith.constant 0 : i32
      %dma_wait3A_238 = tpu.memref_slice %arg8[%dma_wait3A_236, %dma_wait3A_237] : memref<256x64xf32, #tpu.memory_space<vmem>> -> memref<128x64xf32, #tpu.memory_space<vmem>>
      %dma_wait3A_239 = tpu.memref_slice %arg5[%add3A_228] : memref<25600xi32, #tpu.memory_space<vmem>> -> memref<128xi32, #tpu.memory_space<vmem>>
      %dma_wait3A_240 = arith.constant 0 : i32
      %dma_wait3A_241 = arith.constant 0 : i32
      %dma_wait3A_242 = tpu.memref_slice %arg3[%dma_wait3A_240, %dma_wait3A_241] : memref<1000000x64xf32, #tpu.memory_space<hbm>> -> memref<1000000x64xf32, #tpu.memory_space<hbm>>
      tpu.wait_indirect_dma semaphore(%arg12 : memref<!tpu.dma_semaphore, #tpu.memory_space<semaphore_mem>>) src(%dma_wait3A_242 : memref<1000000x64xf32, #tpu.memory_space<hbm>>) dst(%dma_wait3A_238 : memref<128x64xf32, #tpu.memory_space<vmem>>)
      %sub3A_243 = arith.constant 2 : i32
      %sub3A_244 = arith.subi %add3A_188, %sub3A_243 : i32
      %mul3A_245 = arith.constant 256 : i32
      %mul3A_246 = arith.muli %sub3A_244, %mul3A_245 : i32
      %add3A_247 = arith.addi %mul3A_2, %mul3A_246 : i32
      %dma_start3A_248 = arith.constant 0 : i32
      %dma_start3A_249 = tpu.memref_slice %arg4[%add3A_247, %dma_start3A_248] : memref<819200x64xf32, #tpu.memory_space<hbm>> -> memref<256x64xf32, #tpu.memory_space<hbm>>
      %dma_start3A_250 = arith.constant 0 : i32
      %dma_start3A_251 = tpu.memref_slice %arg4[%add3A_247, %dma_start3A_250] : memref<819200x64xf32, #tpu.memory_space<hbm>> -> memref<256x64xf32, #tpu.memory_space<hbm>>
      tpu.enqueue_dma source(%arg8 : memref<256x64xf32, #tpu.memory_space<vmem>>) target(%dma_start3A_251 : memref<256x64xf32, #tpu.memory_space<hbm>>) target_semaphore(%arg16 : memref<!tpu.dma_semaphore, #tpu.memory_space<semaphore_mem>>)
      %mul3A_252 = arith.constant 4 : i32
      %mul3A_253 = arith.muli %scan3A_182, %mul3A_252 : i32
      %add3A_254 = arith.constant 4 : i32
      %add3A_255 = arith.addi %add3A_254, %mul3A_253 : i32
      %add3A_256 = arith.constant 1 : i32
      %add3A_257 = arith.addi %add3A_255, %add3A_256 : i32
      %sub3A_258 = arith.constant 4 : i32
      %sub3A_259 = arith.subi %add3A_257, %sub3A_258 : i32
      %mul3A_260 = arith.constant 256 : i32
      %mul3A_261 = arith.muli %sub3A_259, %mul3A_260 : i32
      %add3A_262 = arith.addi %mul3A_2, %mul3A_261 : i32
      %dma_wait3A_263 = arith.constant 0 : i32
      %dma_wait3A_264 = tpu.memref_slice %arg4[%add3A_262, %dma_wait3A_263] : memref<819200x64xf32, #tpu.memory_space<hbm>> -> memref<256x64xf32, #tpu.memory_space<hbm>>
      %dma_wait3A_265 = arith.constant 0 : i32
      %dma_wait3A_266 = tpu.memref_slice %arg4[%add3A_262, %dma_wait3A_265] : memref<819200x64xf32, #tpu.memory_space<hbm>> -> memref<256x64xf32, #tpu.memory_space<hbm>>
      tpu.wait_dma2 semaphore(%arg15 : memref<!tpu.dma_semaphore, #tpu.memory_space<semaphore_mem>>) src(%arg7 : memref<256x64xf32, #tpu.memory_space<vmem>>) dst(%dma_wait3A_266 : memref<256x64xf32, #tpu.memory_space<hbm>>)
      %mul3A_267 = arith.constant 256 : i32
      %mul3A_268 = arith.muli %add3A_257, %mul3A_267 : i32
      %add3A_269 = arith.constant 0 : i32
      %add3A_270 = arith.addi %mul3A_268, %add3A_269 : i32
      %mul3A_271 = arith.constant 256 : i32
      %mul3A_272 = arith.muli %add3A_257, %mul3A_271 : i32
      %add3A_273 = arith.constant 128 : i32
      %add3A_274 = arith.addi %mul3A_272, %add3A_273 : i32
      %dma_start3A_275 = arith.constant 0 : i32
      %dma_start3A_276 = arith.constant 0 : i32
      %dma_start3A_277 = tpu.memref_slice %arg7[%dma_start3A_275, %dma_start3A_276] : memref<256x64xf32, #tpu.memory_space<vmem>> -> memref<128x64xf32, #tpu.memory_space<vmem>>
      %dma_start3A_278 = tpu.memref_slice %arg5[%add3A_270] : memref<25600xi32, #tpu.memory_space<vmem>> -> memref<128xi32, #tpu.memory_space<vmem>>
      %dma_start3A_279 = arith.constant 0 : i32
      %dma_start3A_280 = arith.constant 0 : i32
      %dma_start3A_281 = tpu.memref_slice %arg3[%dma_start3A_279, %dma_start3A_280] : memref<1000000x64xf32, #tpu.memory_space<hbm>> -> memref<1000000x64xf32, #tpu.memory_space<hbm>>
      tpu.enqueue_indirect_dma source(%dma_start3A_281 : memref<1000000x64xf32, #tpu.memory_space<hbm>>) target(%dma_start3A_277 : memref<128x64xf32, #tpu.memory_space<vmem>>) offsets(%dma_start3A_278 : memref<128xi32, #tpu.memory_space<vmem>>) semaphore(%arg11 : memref<!tpu.dma_semaphore, #tpu.memory_space<semaphore_mem>>)
      %dma_start3A_282 = arith.constant 128 : i32
      %dma_start3A_283 = arith.constant 0 : i32
      %dma_start3A_284 = tpu.memref_slice %arg7[%dma_start3A_282, %dma_start3A_283] : memref<256x64xf32, #tpu.memory_space<vmem>> -> memref<128x64xf32, #tpu.memory_space<vmem>>
      %dma_start3A_285 = tpu.memref_slice %arg5[%add3A_274] : memref<25600xi32, #tpu.memory_space<vmem>> -> memref<128xi32, #tpu.memory_space<vmem>>
      %dma_start3A_286 = arith.constant 0 : i32
      %dma_start3A_287 = arith.constant 0 : i32
      %dma_start3A_288 = tpu.memref_slice %arg3[%dma_start3A_286, %dma_start3A_287] : memref<1000000x64xf32, #tpu.memory_space<hbm>> -> memref<1000000x64xf32, #tpu.memory_space<hbm>>
      tpu.enqueue_indirect_dma source(%dma_start3A_288 : memref<1000000x64xf32, #tpu.memory_space<hbm>>) target(%dma_start3A_284 : memref<128x64xf32, #tpu.memory_space<vmem>>) offsets(%dma_start3A_285 : memref<128xi32, #tpu.memory_space<vmem>>) semaphore(%arg11 : memref<!tpu.dma_semaphore, #tpu.memory_space<semaphore_mem>>)
      %sub3A_289 = arith.constant 2 : i32
      %sub3A_290 = arith.subi %add3A_257, %sub3A_289 : i32
      %mul3A_291 = arith.constant 256 : i32
      %mul3A_292 = arith.muli %sub3A_290, %mul3A_291 : i32
      %add3A_293 = arith.constant 0 : i32
      %add3A_294 = arith.addi %mul3A_292, %add3A_293 : i32
      %mul3A_295 = arith.constant 256 : i32
      %mul3A_296 = arith.muli %sub3A_290, %mul3A_295 : i32
      %add3A_297 = arith.constant 128 : i32
      %add3A_298 = arith.addi %mul3A_296, %add3A_297 : i32
      %dma_wait3A_299 = arith.constant 0 : i32
      %dma_wait3A_300 = arith.constant 0 : i32
      %dma_wait3A_301 = tpu.memref_slice %arg9[%dma_wait3A_299, %dma_wait3A_300] : memref<256x64xf32, #tpu.memory_space<vmem>> -> memref<128x64xf32, #tpu.memory_space<vmem>>
      %dma_wait3A_302 = tpu.memref_slice %arg5[%add3A_294] : memref<25600xi32, #tpu.memory_space<vmem>> -> memref<128xi32, #tpu.memory_space<vmem>>
      %dma_wait3A_303 = arith.constant 0 : i32
      %dma_wait3A_304 = arith.constant 0 : i32
      %dma_wait3A_305 = tpu.memref_slice %arg3[%dma_wait3A_303, %dma_wait3A_304] : memref<1000000x64xf32, #tpu.memory_space<hbm>> -> memref<1000000x64xf32, #tpu.memory_space<hbm>>
      tpu.wait_indirect_dma semaphore(%arg13 : memref<!tpu.dma_semaphore, #tpu.memory_space<semaphore_mem>>) src(%dma_wait3A_305 : memref<1000000x64xf32, #tpu.memory_space<hbm>>) dst(%dma_wait3A_301 : memref<128x64xf32, #tpu.memory_space<vmem>>)
      %dma_wait3A_306 = arith.constant 128 : i32
      %dma_wait3A_307 = arith.constant 0 : i32
      %dma_wait3A_308 = tpu.memref_slice %arg9[%dma_wait3A_306, %dma_wait3A_307] : memref<256x64xf32, #tpu.memory_space<vmem>> -> memref<128x64xf32, #tpu.memory_space<vmem>>
      %dma_wait3A_309 = tpu.memref_slice %arg5[%add3A_298] : memref<25600xi32, #tpu.memory_space<vmem>> -> memref<128xi32, #tpu.memory_space<vmem>>
      %dma_wait3A_310 = arith.constant 0 : i32
      %dma_wait3A_311 = arith.constant 0 : i32
      %dma_wait3A_312 = tpu.memref_slice %arg3[%dma_wait3A_310, %dma_wait3A_311] : memref<1000000x64xf32, #tpu.memory_space<hbm>> -> memref<1000000x64xf32, #tpu.memory_space<hbm>>
      tpu.wait_indirect_dma semaphore(%arg13 : memref<!tpu.dma_semaphore, #tpu.memory_space<semaphore_mem>>) src(%dma_wait3A_312 : memref<1000000x64xf32, #tpu.memory_space<hbm>>) dst(%dma_wait3A_308 : memref<128x64xf32, #tpu.memory_space<vmem>>)
      %sub3A_313 = arith.constant 2 : i32
      %sub3A_314 = arith.subi %add3A_257, %sub3A_313 : i32
      %mul3A_315 = arith.constant 256 : i32
      %mul3A_316 = arith.muli %sub3A_314, %mul3A_315 : i32
      %add3A_317 = arith.addi %mul3A_2, %mul3A_316 : i32
      %dma_start3A_318 = arith.constant 0 : i32
      %dma_start3A_319 = tpu.memref_slice %arg4[%add3A_317, %dma_start3A_318] : memref<819200x64xf32, #tpu.memory_space<hbm>> -> memref<256x64xf32, #tpu.memory_space<hbm>>
      %dma_start3A_320 = arith.constant 0 : i32
      %dma_start3A_321 = tpu.memref_slice %arg4[%add3A_317, %dma_start3A_320] : memref<819200x64xf32, #tpu.memory_space<hbm>> -> memref<256x64xf32, #tpu.memory_space<hbm>>
      tpu.enqueue_dma source(%arg9 : memref<256x64xf32, #tpu.memory_space<vmem>>) target(%dma_start3A_321 : memref<256x64xf32, #tpu.memory_space<hbm>>) target_semaphore(%arg17 : memref<!tpu.dma_semaphore, #tpu.memory_space<semaphore_mem>>)
      %mul3A_322 = arith.constant 4 : i32
      %mul3A_323 = arith.muli %scan3A_182, %mul3A_322 : i32
      %add3A_324 = arith.constant 4 : i32
      %add3A_325 = arith.addi %add3A_324, %mul3A_323 : i32
      %add3A_326 = arith.constant 2 : i32
      %add3A_327 = arith.addi %add3A_325, %add3A_326 : i32
      %sub3A_328 = arith.constant 4 : i32
      %sub3A_329 = arith.subi %add3A_327, %sub3A_328 : i32
      %mul3A_330 = arith.constant 256 : i32
      %mul3A_331 = arith.muli %sub3A_329, %mul3A_330 : i32
      %add3A_332 = arith.addi %mul3A_2, %mul3A_331 : i32
      %dma_wait3A_333 = arith.constant 0 : i32
      %dma_wait3A_334 = tpu.memref_slice %arg4[%add3A_332, %dma_wait3A_333] : memref<819200x64xf32, #tpu.memory_space<hbm>> -> memref<256x64xf32, #tpu.memory_space<hbm>>
      %dma_wait3A_335 = arith.constant 0 : i32
      %dma_wait3A_336 = tpu.memref_slice %arg4[%add3A_332, %dma_wait3A_335] : memref<819200x64xf32, #tpu.memory_space<hbm>> -> memref<256x64xf32, #tpu.memory_space<hbm>>
      tpu.wait_dma2 semaphore(%arg16 : memref<!tpu.dma_semaphore, #tpu.memory_space<semaphore_mem>>) src(%arg8 : memref<256x64xf32, #tpu.memory_space<vmem>>) dst(%dma_wait3A_336 : memref<256x64xf32, #tpu.memory_space<hbm>>)
      %mul3A_337 = arith.constant 256 : i32
      %mul3A_338 = arith.muli %add3A_327, %mul3A_337 : i32
      %add3A_339 = arith.constant 0 : i32
      %add3A_340 = arith.addi %mul3A_338, %add3A_339 : i32
      %mul3A_341 = arith.constant 256 : i32
      %mul3A_342 = arith.muli %add3A_327, %mul3A_341 : i32
      %add3A_343 = arith.constant 128 : i32
      %add3A_344 = arith.addi %mul3A_342, %add3A_343 : i32
      %dma_start3A_345 = arith.constant 0 : i32
      %dma_start3A_346 = arith.constant 0 : i32
      %dma_start3A_347 = tpu.memref_slice %arg8[%dma_start3A_345, %dma_start3A_346] : memref<256x64xf32, #tpu.memory_space<vmem>> -> memref<128x64xf32, #tpu.memory_space<vmem>>
      %dma_start3A_348 = tpu.memref_slice %arg5[%add3A_340] : memref<25600xi32, #tpu.memory_space<vmem>> -> memref<128xi32, #tpu.memory_space<vmem>>
      %dma_start3A_349 = arith.constant 0 : i32
      %dma_start3A_350 = arith.constant 0 : i32
      %dma_start3A_351 = tpu.memref_slice %arg3[%dma_start3A_349, %dma_start3A_350] : memref<1000000x64xf32, #tpu.memory_space<hbm>> -> memref<1000000x64xf32, #tpu.memory_space<hbm>>
      tpu.enqueue_indirect_dma source(%dma_start3A_351 : memref<1000000x64xf32, #tpu.memory_space<hbm>>) target(%dma_start3A_347 : memref<128x64xf32, #tpu.memory_space<vmem>>) offsets(%dma_start3A_348 : memref<128xi32, #tpu.memory_space<vmem>>) semaphore(%arg12 : memref<!tpu.dma_semaphore, #tpu.memory_space<semaphore_mem>>)
      %dma_start3A_352 = arith.constant 128 : i32
      %dma_start3A_353 = arith.constant 0 : i32
      %dma_start3A_354 = tpu.memref_slice %arg8[%dma_start3A_352, %dma_start3A_353] : memref<256x64xf32, #tpu.memory_space<vmem>> -> memref<128x64xf32, #tpu.memory_space<vmem>>
      %dma_start3A_355 = tpu.memref_slice %arg5[%add3A_344] : memref<25600xi32, #tpu.memory_space<vmem>> -> memref<128xi32, #tpu.memory_space<vmem>>
      %dma_start3A_356 = arith.constant 0 : i32
      %dma_start3A_357 = arith.constant 0 : i32
      %dma_start3A_358 = tpu.memref_slice %arg3[%dma_start3A_356, %dma_start3A_357] : memref<1000000x64xf32, #tpu.memory_space<hbm>> -> memref<1000000x64xf32, #tpu.memory_space<hbm>>
      tpu.enqueue_indirect_dma source(%dma_start3A_358 : memref<1000000x64xf32, #tpu.memory_space<hbm>>) target(%dma_start3A_354 : memref<128x64xf32, #tpu.memory_space<vmem>>) offsets(%dma_start3A_355 : memref<128xi32, #tpu.memory_space<vmem>>) semaphore(%arg12 : memref<!tpu.dma_semaphore, #tpu.memory_space<semaphore_mem>>)
      %sub3A_359 = arith.constant 2 : i32
      %sub3A_360 = arith.subi %add3A_327, %sub3A_359 : i32
      %mul3A_361 = arith.constant 256 : i32
      %mul3A_362 = arith.muli %sub3A_360, %mul3A_361 : i32
      %add3A_363 = arith.constant 0 : i32
      %add3A_364 = arith.addi %mul3A_362, %add3A_363 : i32
      %mul3A_365 = arith.constant 256 : i32
      %mul3A_366 = arith.muli %sub3A_360, %mul3A_365 : i32
      %add3A_367 = arith.constant 128 : i32
      %add3A_368 = arith.addi %mul3A_366, %add3A_367 : i32
      %dma_wait3A_369 = arith.constant 0 : i32
      %dma_wait3A_370 = arith.constant 0 : i32
      %dma_wait3A_371 = tpu.memref_slice %arg6[%dma_wait3A_369, %dma_wait3A_370] : memref<256x64xf32, #tpu.memory_space<vmem>> -> memref<128x64xf32, #tpu.memory_space<vmem>>
      %dma_wait3A_372 = tpu.memref_slice %arg5[%add3A_364] : memref<25600xi32, #tpu.memory_space<vmem>> -> memref<128xi32, #tpu.memory_space<vmem>>
      %dma_wait3A_373 = arith.constant 0 : i32
      %dma_wait3A_374 = arith.constant 0 : i32
      %dma_wait3A_375 = tpu.memref_slice %arg3[%dma_wait3A_373, %dma_wait3A_374] : memref<1000000x64xf32, #tpu.memory_space<hbm>> -> memref<1000000x64xf32, #tpu.memory_space<hbm>>
      tpu.wait_indirect_dma semaphore(%arg10 : memref<!tpu.dma_semaphore, #tpu.memory_space<semaphore_mem>>) src(%dma_wait3A_375 : memref<1000000x64xf32, #tpu.memory_space<hbm>>) dst(%dma_wait3A_371 : memref<128x64xf32, #tpu.memory_space<vmem>>)
      %dma_wait3A_376 = arith.constant 128 : i32
      %dma_wait3A_377 = arith.constant 0 : i32
      %dma_wait3A_378 = tpu.memref_slice %arg6[%dma_wait3A_376, %dma_wait3A_377] : memref<256x64xf32, #tpu.memory_space<vmem>> -> memref<128x64xf32, #tpu.memory_space<vmem>>
      %dma_wait3A_379 = tpu.memref_slice %arg5[%add3A_368] : memref<25600xi32, #tpu.memory_space<vmem>> -> memref<128xi32, #tpu.memory_space<vmem>>
      %dma_wait3A_380 = arith.constant 0 : i32
      %dma_wait3A_381 = arith.constant 0 : i32
      %dma_wait3A_382 = tpu.memref_slice %arg3[%dma_wait3A_380, %dma_wait3A_381] : memref<1000000x64xf32, #tpu.memory_space<hbm>> -> memref<1000000x64xf32, #tpu.memory_space<hbm>>
      tpu.wait_indirect_dma semaphore(%arg10 : memref<!tpu.dma_semaphore, #tpu.memory_space<semaphore_mem>>) src(%dma_wait3A_382 : memref<1000000x64xf32, #tpu.memory_space<hbm>>) dst(%dma_wait3A_378 : memref<128x64xf32, #tpu.memory_space<vmem>>)
      %sub3A_383 = arith.constant 2 : i32
      %sub3A_384 = arith.subi %add3A_327, %sub3A_383 : i32
      %mul3A_385 = arith.constant 256 : i32
      %mul3A_386 = arith.muli %sub3A_384, %mul3A_385 : i32
      %add3A_387 = arith.addi %mul3A_2, %mul3A_386 : i32
      %dma_start3A_388 = arith.constant 0 : i32
      %dma_start3A_389 = tpu.memref_slice %arg4[%add3A_387, %dma_start3A_388] : memref<819200x64xf32, #tpu.memory_space<hbm>> -> memref<256x64xf32, #tpu.memory_space<hbm>>
      %dma_start3A_390 = arith.constant 0 : i32
      %dma_start3A_391 = tpu.memref_slice %arg4[%add3A_387, %dma_start3A_390] : memref<819200x64xf32, #tpu.memory_space<hbm>> -> memref<256x64xf32, #tpu.memory_space<hbm>>
      tpu.enqueue_dma source(%arg6 : memref<256x64xf32, #tpu.memory_space<vmem>>) target(%dma_start3A_391 : memref<256x64xf32, #tpu.memory_space<hbm>>) target_semaphore(%arg14 : memref<!tpu.dma_semaphore, #tpu.memory_space<semaphore_mem>>)
      %mul3A_392 = arith.constant 4 : i32
      %mul3A_393 = arith.muli %scan3A_182, %mul3A_392 : i32
      %add3A_394 = arith.constant 4 : i32
      %add3A_395 = arith.addi %add3A_394, %mul3A_393 : i32
      %add3A_396 = arith.constant 3 : i32
      %add3A_397 = arith.addi %add3A_395, %add3A_396 : i32
      %sub3A_398 = arith.constant 4 : i32
      %sub3A_399 = arith.subi %add3A_397, %sub3A_398 : i32
      %mul3A_400 = arith.constant 256 : i32
      %mul3A_401 = arith.muli %sub3A_399, %mul3A_400 : i32
      %add3A_402 = arith.addi %mul3A_2, %mul3A_401 : i32
      %dma_wait3A_403 = arith.constant 0 : i32
      %dma_wait3A_404 = tpu.memref_slice %arg4[%add3A_402, %dma_wait3A_403] : memref<819200x64xf32, #tpu.memory_space<hbm>> -> memref<256x64xf32, #tpu.memory_space<hbm>>
      %dma_wait3A_405 = arith.constant 0 : i32
      %dma_wait3A_406 = tpu.memref_slice %arg4[%add3A_402, %dma_wait3A_405] : memref<819200x64xf32, #tpu.memory_space<hbm>> -> memref<256x64xf32, #tpu.memory_space<hbm>>
      tpu.wait_dma2 semaphore(%arg17 : memref<!tpu.dma_semaphore, #tpu.memory_space<semaphore_mem>>) src(%arg9 : memref<256x64xf32, #tpu.memory_space<vmem>>) dst(%dma_wait3A_406 : memref<256x64xf32, #tpu.memory_space<hbm>>)
      %mul3A_407 = arith.constant 256 : i32
      %mul3A_408 = arith.muli %add3A_397, %mul3A_407 : i32
      %add3A_409 = arith.constant 0 : i32
      %add3A_410 = arith.addi %mul3A_408, %add3A_409 : i32
      %mul3A_411 = arith.constant 256 : i32
      %mul3A_412 = arith.muli %add3A_397, %mul3A_411 : i32
      %add3A_413 = arith.constant 128 : i32
      %add3A_414 = arith.addi %mul3A_412, %add3A_413 : i32
      %dma_start3A_415 = arith.constant 0 : i32
      %dma_start3A_416 = arith.constant 0 : i32
      %dma_start3A_417 = tpu.memref_slice %arg9[%dma_start3A_415, %dma_start3A_416] : memref<256x64xf32, #tpu.memory_space<vmem>> -> memref<128x64xf32, #tpu.memory_space<vmem>>
      %dma_start3A_418 = tpu.memref_slice %arg5[%add3A_410] : memref<25600xi32, #tpu.memory_space<vmem>> -> memref<128xi32, #tpu.memory_space<vmem>>
      %dma_start3A_419 = arith.constant 0 : i32
      %dma_start3A_420 = arith.constant 0 : i32
      %dma_start3A_421 = tpu.memref_slice %arg3[%dma_start3A_419, %dma_start3A_420] : memref<1000000x64xf32, #tpu.memory_space<hbm>> -> memref<1000000x64xf32, #tpu.memory_space<hbm>>
      tpu.enqueue_indirect_dma source(%dma_start3A_421 : memref<1000000x64xf32, #tpu.memory_space<hbm>>) target(%dma_start3A_417 : memref<128x64xf32, #tpu.memory_space<vmem>>) offsets(%dma_start3A_418 : memref<128xi32, #tpu.memory_space<vmem>>) semaphore(%arg13 : memref<!tpu.dma_semaphore, #tpu.memory_space<semaphore_mem>>)
      %dma_start3A_422 = arith.constant 128 : i32
      %dma_start3A_423 = arith.constant 0 : i32
      %dma_start3A_424 = tpu.memref_slice %arg9[%dma_start3A_422, %dma_start3A_423] : memref<256x64xf32, #tpu.memory_space<vmem>> -> memref<128x64xf32, #tpu.memory_space<vmem>>
      %dma_start3A_425 = tpu.memref_slice %arg5[%add3A_414] : memref<25600xi32, #tpu.memory_space<vmem>> -> memref<128xi32, #tpu.memory_space<vmem>>
      %dma_start3A_426 = arith.constant 0 : i32
      %dma_start3A_427 = arith.constant 0 : i32
      %dma_start3A_428 = tpu.memref_slice %arg3[%dma_start3A_426, %dma_start3A_427] : memref<1000000x64xf32, #tpu.memory_space<hbm>> -> memref<1000000x64xf32, #tpu.memory_space<hbm>>
      tpu.enqueue_indirect_dma source(%dma_start3A_428 : memref<1000000x64xf32, #tpu.memory_space<hbm>>) target(%dma_start3A_424 : memref<128x64xf32, #tpu.memory_space<vmem>>) offsets(%dma_start3A_425 : memref<128xi32, #tpu.memory_space<vmem>>) semaphore(%arg13 : memref<!tpu.dma_semaphore, #tpu.memory_space<semaphore_mem>>)
      %sub3A_429 = arith.constant 2 : i32
      %sub3A_430 = arith.subi %add3A_397, %sub3A_429 : i32
      %mul3A_431 = arith.constant 256 : i32
      %mul3A_432 = arith.muli %sub3A_430, %mul3A_431 : i32
      %add3A_433 = arith.constant 0 : i32
      %add3A_434 = arith.addi %mul3A_432, %add3A_433 : i32
      %mul3A_435 = arith.constant 256 : i32
      %mul3A_436 = arith.muli %sub3A_430, %mul3A_435 : i32
      %add3A_437 = arith.constant 128 : i32
      %add3A_438 = arith.addi %mul3A_436, %add3A_437 : i32
      %dma_wait3A_439 = arith.constant 0 : i32
      %dma_wait3A_440 = arith.constant 0 : i32
      %dma_wait3A_441 = tpu.memref_slice %arg7[%dma_wait3A_439, %dma_wait3A_440] : memref<256x64xf32, #tpu.memory_space<vmem>> -> memref<128x64xf32, #tpu.memory_space<vmem>>
      %dma_wait3A_442 = tpu.memref_slice %arg5[%add3A_434] : memref<25600xi32, #tpu.memory_space<vmem>> -> memref<128xi32, #tpu.memory_space<vmem>>
      %dma_wait3A_443 = arith.constant 0 : i32
      %dma_wait3A_444 = arith.constant 0 : i32
      %dma_wait3A_445 = tpu.memref_slice %arg3[%dma_wait3A_443, %dma_wait3A_444] : memref<1000000x64xf32, #tpu.memory_space<hbm>> -> memref<1000000x64xf32, #tpu.memory_space<hbm>>
      tpu.wait_indirect_dma semaphore(%arg11 : memref<!tpu.dma_semaphore, #tpu.memory_space<semaphore_mem>>) src(%dma_wait3A_445 : memref<1000000x64xf32, #tpu.memory_space<hbm>>) dst(%dma_wait3A_441 : memref<128x64xf32, #tpu.memory_space<vmem>>)
      %dma_wait3A_446 = arith.constant 128 : i32
      %dma_wait3A_447 = arith.constant 0 : i32
      %dma_wait3A_448 = tpu.memref_slice %arg7[%dma_wait3A_446, %dma_wait3A_447] : memref<256x64xf32, #tpu.memory_space<vmem>> -> memref<128x64xf32, #tpu.memory_space<vmem>>
      %dma_wait3A_449 = tpu.memref_slice %arg5[%add3A_438] : memref<25600xi32, #tpu.memory_space<vmem>> -> memref<128xi32, #tpu.memory_space<vmem>>
      %dma_wait3A_450 = arith.constant 0 : i32
      %dma_wait3A_451 = arith.constant 0 : i32
      %dma_wait3A_452 = tpu.memref_slice %arg3[%dma_wait3A_450, %dma_wait3A_451] : memref<1000000x64xf32, #tpu.memory_space<hbm>> -> memref<1000000x64xf32, #tpu.memory_space<hbm>>
      tpu.wait_indirect_dma semaphore(%arg11 : memref<!tpu.dma_semaphore, #tpu.memory_space<semaphore_mem>>) src(%dma_wait3A_452 : memref<1000000x64xf32, #tpu.memory_space<hbm>>) dst(%dma_wait3A_448 : memref<128x64xf32, #tpu.memory_space<vmem>>)
      %sub3A_453 = arith.constant 2 : i32
      %sub3A_454 = arith.subi %add3A_397, %sub3A_453 : i32
      %mul3A_455 = arith.constant 256 : i32
      %mul3A_456 = arith.muli %sub3A_454, %mul3A_455 : i32
      %add3A_457 = arith.addi %mul3A_2, %mul3A_456 : i32
      %dma_start3A_458 = arith.constant 0 : i32
      %dma_start3A_459 = tpu.memref_slice %arg4[%add3A_457, %dma_start3A_458] : memref<819200x64xf32, #tpu.memory_space<hbm>> -> memref<256x64xf32, #tpu.memory_space<hbm>>
      %dma_start3A_460 = arith.constant 0 : i32
      %dma_start3A_461 = tpu.memref_slice %arg4[%add3A_457, %dma_start3A_460] : memref<819200x64xf32, #tpu.memory_space<hbm>> -> memref<256x64xf32, #tpu.memory_space<hbm>>
      tpu.enqueue_dma source(%arg7 : memref<256x64xf32, #tpu.memory_space<vmem>>) target(%dma_start3A_461 : memref<256x64xf32, #tpu.memory_space<hbm>>) target_semaphore(%arg15 : memref<!tpu.dma_semaphore, #tpu.memory_space<semaphore_mem>>)
    }
    %scan3A_113 = arith.constant 24 : i32
    %dma_wait3A_114 = arith.constant 0 : i32
    %dma_wait3A_115 = arith.constant 0 : i32
    %dma_wait3A_116 = tpu.memref_slice %arg8[%dma_wait3A_114, %dma_wait3A_115] : memref<256x64xf32, #tpu.memory_space<vmem>> -> memref<128x64xf32, #tpu.memory_space<vmem>>
    %dma_wait3A_117 = arith.constant 25088 : i32
    %dma_wait3A_118 = tpu.memref_slice %arg5[%dma_wait3A_117] : memref<25600xi32, #tpu.memory_space<vmem>> -> memref<128xi32, #tpu.memory_space<vmem>>
    %dma_wait3A_119 = arith.constant 0 : i32
    %dma_wait3A_120 = arith.constant 0 : i32
    %dma_wait3A_121 = tpu.memref_slice %arg3[%dma_wait3A_119, %dma_wait3A_120] : memref<1000000x64xf32, #tpu.memory_space<hbm>> -> memref<1000000x64xf32, #tpu.memory_space<hbm>>
    tpu.wait_indirect_dma semaphore(%arg12 : memref<!tpu.dma_semaphore, #tpu.memory_space<semaphore_mem>>) src(%dma_wait3A_121 : memref<1000000x64xf32, #tpu.memory_space<hbm>>) dst(%dma_wait3A_116 : memref<128x64xf32, #tpu.memory_space<vmem>>)
    %dma_wait3A_122 = arith.constant 128 : i32
    %dma_wait3A_123 = arith.constant 0 : i32
    %dma_wait3A_124 = tpu.memref_slice %arg8[%dma_wait3A_122, %dma_wait3A_123] : memref<256x64xf32, #tpu.memory_space<vmem>> -> memref<128x64xf32, #tpu.memory_space<vmem>>
    %dma_wait3A_125 = arith.constant 25216 : i32
    %dma_wait3A_126 = tpu.memref_slice %arg5[%dma_wait3A_125] : memref<25600xi32, #tpu.memory_space<vmem>> -> memref<128xi32, #tpu.memory_space<vmem>>
    %dma_wait3A_127 = arith.constant 0 : i32
    %dma_wait3A_128 = arith.constant 0 : i32
    %dma_wait3A_129 = tpu.memref_slice %arg3[%dma_wait3A_127, %dma_wait3A_128] : memref<1000000x64xf32, #tpu.memory_space<hbm>> -> memref<1000000x64xf32, #tpu.memory_space<hbm>>
    tpu.wait_indirect_dma semaphore(%arg12 : memref<!tpu.dma_semaphore, #tpu.memory_space<semaphore_mem>>) src(%dma_wait3A_129 : memref<1000000x64xf32, #tpu.memory_space<hbm>>) dst(%dma_wait3A_124 : memref<128x64xf32, #tpu.memory_space<vmem>>)
    %add3A_130 = arith.constant 25088 : i32
    %add3A_131 = arith.addi %mul3A_2, %add3A_130 : i32
    %dma_start3A_132 = arith.constant 0 : i32
    %dma_start3A_133 = tpu.memref_slice %arg4[%add3A_131, %dma_start3A_132] : memref<819200x64xf32, #tpu.memory_space<hbm>> -> memref<256x64xf32, #tpu.memory_space<hbm>>
    %dma_start3A_134 = arith.constant 0 : i32
    %dma_start3A_135 = tpu.memref_slice %arg4[%add3A_131, %dma_start3A_134] : memref<819200x64xf32, #tpu.memory_space<hbm>> -> memref<256x64xf32, #tpu.memory_space<hbm>>
    tpu.enqueue_dma source(%arg8 : memref<256x64xf32, #tpu.memory_space<vmem>>) target(%dma_start3A_135 : memref<256x64xf32, #tpu.memory_space<hbm>>) target_semaphore(%arg16 : memref<!tpu.dma_semaphore, #tpu.memory_space<semaphore_mem>>)
    %dma_wait3A_136 = arith.constant 0 : i32
    %dma_wait3A_137 = arith.constant 0 : i32
    %dma_wait3A_138 = tpu.memref_slice %arg9[%dma_wait3A_136, %dma_wait3A_137] : memref<256x64xf32, #tpu.memory_space<vmem>> -> memref<128x64xf32, #tpu.memory_space<vmem>>
    %dma_wait3A_139 = arith.constant 25344 : i32
    %dma_wait3A_140 = tpu.memref_slice %arg5[%dma_wait3A_139] : memref<25600xi32, #tpu.memory_space<vmem>> -> memref<128xi32, #tpu.memory_space<vmem>>
    %dma_wait3A_141 = arith.constant 0 : i32
    %dma_wait3A_142 = arith.constant 0 : i32
    %dma_wait3A_143 = tpu.memref_slice %arg3[%dma_wait3A_141, %dma_wait3A_142] : memref<1000000x64xf32, #tpu.memory_space<hbm>> -> memref<1000000x64xf32, #tpu.memory_space<hbm>>
    tpu.wait_indirect_dma semaphore(%arg13 : memref<!tpu.dma_semaphore, #tpu.memory_space<semaphore_mem>>) src(%dma_wait3A_143 : memref<1000000x64xf32, #tpu.memory_space<hbm>>) dst(%dma_wait3A_138 : memref<128x64xf32, #tpu.memory_space<vmem>>)
    %dma_wait3A_144 = arith.constant 128 : i32
    %dma_wait3A_145 = arith.constant 0 : i32
    %dma_wait3A_146 = tpu.memref_slice %arg9[%dma_wait3A_144, %dma_wait3A_145] : memref<256x64xf32, #tpu.memory_space<vmem>> -> memref<128x64xf32, #tpu.memory_space<vmem>>
    %dma_wait3A_147 = arith.constant 25472 : i32
    %dma_wait3A_148 = tpu.memref_slice %arg5[%dma_wait3A_147] : memref<25600xi32, #tpu.memory_space<vmem>> -> memref<128xi32, #tpu.memory_space<vmem>>
    %dma_wait3A_149 = arith.constant 0 : i32
    %dma_wait3A_150 = arith.constant 0 : i32
    %dma_wait3A_151 = tpu.memref_slice %arg3[%dma_wait3A_149, %dma_wait3A_150] : memref<1000000x64xf32, #tpu.memory_space<hbm>> -> memref<1000000x64xf32, #tpu.memory_space<hbm>>
    tpu.wait_indirect_dma semaphore(%arg13 : memref<!tpu.dma_semaphore, #tpu.memory_space<semaphore_mem>>) src(%dma_wait3A_151 : memref<1000000x64xf32, #tpu.memory_space<hbm>>) dst(%dma_wait3A_146 : memref<128x64xf32, #tpu.memory_space<vmem>>)
    %add3A_152 = arith.constant 25344 : i32
    %add3A_153 = arith.addi %mul3A_2, %add3A_152 : i32
    %dma_start3A_154 = arith.constant 0 : i32
    %dma_start3A_155 = tpu.memref_slice %arg4[%add3A_153, %dma_start3A_154] : memref<819200x64xf32, #tpu.memory_space<hbm>> -> memref<256x64xf32, #tpu.memory_space<hbm>>
    %dma_start3A_156 = arith.constant 0 : i32
    %dma_start3A_157 = tpu.memref_slice %arg4[%add3A_153, %dma_start3A_156] : memref<819200x64xf32, #tpu.memory_space<hbm>> -> memref<256x64xf32, #tpu.memory_space<hbm>>
    tpu.enqueue_dma source(%arg9 : memref<256x64xf32, #tpu.memory_space<vmem>>) target(%dma_start3A_157 : memref<256x64xf32, #tpu.memory_space<hbm>>) target_semaphore(%arg17 : memref<!tpu.dma_semaphore, #tpu.memory_space<semaphore_mem>>)
    %add3A_158 = arith.constant 24576 : i32
    %add3A_159 = arith.addi %mul3A_2, %add3A_158 : i32
    %dma_wait3A_160 = arith.constant 0 : i32
    %dma_wait3A_161 = tpu.memref_slice %arg4[%add3A_159, %dma_wait3A_160] : memref<819200x64xf32, #tpu.memory_space<hbm>> -> memref<256x64xf32, #tpu.memory_space<hbm>>
    %dma_wait3A_162 = arith.constant 0 : i32
    %dma_wait3A_163 = tpu.memref_slice %arg4[%add3A_159, %dma_wait3A_162] : memref<819200x64xf32, #tpu.memory_space<hbm>> -> memref<256x64xf32, #tpu.memory_space<hbm>>
    tpu.wait_dma2 semaphore(%arg14 : memref<!tpu.dma_semaphore, #tpu.memory_space<semaphore_mem>>) src(%arg6 : memref<256x64xf32, #tpu.memory_space<vmem>>) dst(%dma_wait3A_163 : memref<256x64xf32, #tpu.memory_space<hbm>>)
    %add3A_164 = arith.constant 24832 : i32
    %add3A_165 = arith.addi %mul3A_2, %add3A_164 : i32
    %dma_wait3A_166 = arith.constant 0 : i32
    %dma_wait3A_167 = tpu.memref_slice %arg4[%add3A_165, %dma_wait3A_166] : memref<819200x64xf32, #tpu.memory_space<hbm>> -> memref<256x64xf32, #tpu.memory_space<hbm>>
    %dma_wait3A_168 = arith.constant 0 : i32
    %dma_wait3A_169 = tpu.memref_slice %arg4[%add3A_165, %dma_wait3A_168] : memref<819200x64xf32, #tpu.memory_space<hbm>> -> memref<256x64xf32, #tpu.memory_space<hbm>>
    tpu.wait_dma2 semaphore(%arg15 : memref<!tpu.dma_semaphore, #tpu.memory_space<semaphore_mem>>) src(%arg7 : memref<256x64xf32, #tpu.memory_space<vmem>>) dst(%dma_wait3A_169 : memref<256x64xf32, #tpu.memory_space<hbm>>)
    %add3A_170 = arith.constant 25088 : i32
    %add3A_171 = arith.addi %mul3A_2, %add3A_170 : i32
    %dma_wait3A_172 = arith.constant 0 : i32
    %dma_wait3A_173 = tpu.memref_slice %arg4[%add3A_171, %dma_wait3A_172] : memref<819200x64xf32, #tpu.memory_space<hbm>> -> memref<256x64xf32, #tpu.memory_space<hbm>>
    %dma_wait3A_174 = arith.constant 0 : i32
    %dma_wait3A_175 = tpu.memref_slice %arg4[%add3A_171, %dma_wait3A_174] : memref<819200x64xf32, #tpu.memory_space<hbm>> -> memref<256x64xf32, #tpu.memory_space<hbm>>
    tpu.wait_dma2 semaphore(%arg16 : memref<!tpu.dma_semaphore, #tpu.memory_space<semaphore_mem>>) src(%arg8 : memref<256x64xf32, #tpu.memory_space<vmem>>) dst(%dma_wait3A_175 : memref<256x64xf32, #tpu.memory_space<hbm>>)
    %add3A_176 = arith.constant 25344 : i32
    %add3A_177 = arith.addi %mul3A_2, %add3A_176 : i32
    %dma_wait3A_178 = arith.constant 0 : i32
    %dma_wait3A_179 = tpu.memref_slice %arg4[%add3A_177, %dma_wait3A_178] : memref<819200x64xf32, #tpu.memory_space<hbm>> -> memref<256x64xf32, #tpu.memory_space<hbm>>
    %dma_wait3A_180 = arith.constant 0 : i32
    %dma_wait3A_181 = tpu.memref_slice %arg4[%add3A_177, %dma_wait3A_180] : memref<819200x64xf32, #tpu.memory_space<hbm>> -> memref<256x64xf32, #tpu.memory_space<hbm>>
    tpu.wait_dma2 semaphore(%arg17 : memref<!tpu.dma_semaphore, #tpu.memory_space<semaphore_mem>>) src(%arg9 : memref<256x64xf32, #tpu.memory_space<vmem>>) dst(%dma_wait3A_181 : memref<256x64xf32, #tpu.memory_space<hbm>>)
    return
  }
}

</mosaic_0001>

<sc_bundles>
// kernel: kernel.3.cloned.1.call-start
scs
__scs_entry_jumppad:
0x0: {  	(pc) =	sbr.rel $0x88, $3  }
0x1: {  	(tag) =	ssettag $0x0;
	lr =	simm.s32 $0x1  }
0x2: {  	[smem:$0x3F9F] =	sst lr;
	_ =	strace $0xD0000000  }
0x3: {  	_ = 	snop  }
0x4: {  	_ = 	snop  }
0x5: {  	_ = 	snop  }
0x6: {  	_ = 	snop  }
0x7: {  	_ = 	snop  }
__scs_overlays_trampoline_lowered:
0x8: {  	[smem:$0x3FAE] =	sst s0  }
0x9: {  	[smem:$0x3FAF] =	sst s1  }
0xa: {  	[smem:$0x3FB0] =	sst s2  }
0xb: {  	[smem:$0x3FB1] =	sst s3  }
0xc: {  	[smem:$0x3FB2] =	sst s4  }
0xd: {  	[smem:$0x3FB3] =	sst s5  }
0xe: {  	[smem:$0x3FB4] =	sst s6  }
0xf: {  	[smem:$0x3FB5] =	sst s7  }
0x10: {  	[smem:$0x3FB6] =	sst s8  }
0x11: {  	[smem:$0x3FB7] =	sst s9;
	s0 =	simm.s32 @!p0 $0x0  }
0x12: {  	s1 =	sld [smem:$0x3F9D];
	s0 =	simm.s32 @p0 $0x1  }
0x13: {  	[smem:$0x3FB8] =	sst s0;
	s0 =	simm.s32 @!p1 $0x0  }
0x14: {  	s2 =	sld [smem:$0x3F9C];
	s0 =	simm.s32 @p1 $0x1  }
0x15: {  	[smem:$0x3FB9] =	sst s0;
	s0 =	simm.s32 @!p2 $0x0  }
0x16: {  	s3 =	sld [smem:$0x3FDB];
	s0 =	simm.s32 @p2 $0x1  }
0x17: {  	s4 =	simm.s32 $0x1BF5;
	[smem:$0x3FBB] =	sst s0  }
0x18: {  	s0 =	sld [smem:$0x3F9E];
	_ =	swait.ge [sflag:s4], $0x0  }
0x19: {  	s7 =	sld [smem:$0x3F9F]  }
0x1a: {  	s8 =	sadd.s32 $0xFFFFE003, lr  }
0x1b: {  	s9 =	sadd.s32 $0xFFFFFEF7, lr;
	s5 =	simm.s32 $0xFFFFFFFF;
	p2 =	slt.u32 s8, $0xFFFFF086  }
0x1c: {  	p1 =	slt.u32 s9, $0xF7A;
	s5 =	simm.s32 @!p2 $0x0  }
0x1d: {  	s5 =	simm.s32 @p1 $0x1;
	p0 =	seq.s32 s7, s2  }
0x1e: {  	s7 =	smul.u32 @!p0 $0xF7A, s2;
	p2 =	seq.s32 @!p0 s5, $0x0  }
0x1f: {  	s9 =	smul.u32 $0xF7A, s1;
	s8 =	simm.s32 @!p0 $0x1BF5;
	p2 =	por !p2, p0  }
0x20: {  	[sflag:s8] =	ssyncset.s32 @!p0 $0xFFFFF086;
	s6 =	sadd.s32 @!p0 s3, s7;
	s7 =	simm.s32 @!p0 $0x108  }
0x21: {  	s3 =	sadd.s32 s3, s9;
	s6 =	sadd.s32 @!p0 $0x88, s6;
	s7 =	simm.s32 @p2 $0x1082  }
0x22: {  	[simem:s7], [sflag:s8] =	dma.local @!p0 [hbm:s6], $0xF7A  }
0x23: {  	s9 =	sor.u32 $0xD0000000, s2;
	s6 =	simm.s32 $0x108;
	_ =	swait.ge @!p0 [sflag:s8], $0x0  }
0x24: {  	s3 =	sadd.s32 $0x88, s3;
	s6 =	simm.s32 @!p1 $0x1082;
	[sflag:s4] =	ssyncset.s32 $0xFFFFF086  }
0x25: {  	[simem:s6], [sflag:s4] =	dma.local [hbm:s3], $0xF7A  }
0x26: {  	[smem:$0x3F9F] =	sst s1;
	(tag) =	ssettag s2;
	_ =	strace s9  }
0x27: {  	s1 =	sld [smem:$0x3FAF]  }
0x28: {  	s2 =	sld [smem:$0x3FB0]  }
0x29: {  	s4 =	sld [smem:$0x3FB2]  }
0x2a: {  	p0 =	seq.s32 s5, $0x0;
	s5 =	sld [smem:$0x3FB3]  }
0x2b: {  	s6 =	sld [smem:$0x3FB4]  }
0x2c: {  	s7 =	sld [smem:$0x3FB5]  }
0x2d: {  	s3 =	simm.s32 $0x108;
	s8 =	sld [smem:$0x3FB6]  }
0x2e: {  	s3 =	simm.s32 @!p0 $0x1082;
	s9 =	sld [smem:$0x3FB7]  }
0x2f: {  	lr =	sadd.s32 s0, s3;
	s0 =	sld [smem:$0x3FAE]  }
0x30: {  	s3 =	sld [smem:$0x3FB1]  }
0x31: {  	[smem:$0x3FBA] =	sst s10  }
0x32: {  	s10 =	sld [smem:$0x3FB8];
	_ =	sdelay $0x3  }
0x33: {  	p0 =	seq.s32 s10, $0x1;
	s10 =	sld [smem:$0x3FBA];
	_ =	sdelay $0x3  }
0x34: {  	[smem:$0x3FBA] =	sst s10  }
0x35: {  	s10 =	sld [smem:$0x3FB9];
	_ =	sdelay $0x3  }
0x36: {  	p1 =	seq.s32 s10, $0x1;
	s10 =	sld [smem:$0x3FBA];
	_ =	sdelay $0x3  }
0x37: {  	[smem:$0x3FBA] =	sst s10  }
0x38: {  	s10 =	sld [smem:$0x3FBB]  }
0x39: {  	_ = 	snop;
	(pc) =	sbr.ind lr, $3  }
0x3a: {  	_ = 	snop  }
0x3b: {  	_ = 	snop  }
0x3c: {  	p2 =	seq.s32 s10, $0x1;
	s10 =	sld [smem:$0x3FBA]  }
0x3d: {  	_ =	shalt  }
0x3e: {  	_ =	shalt  }
0x3f: {  	_ =	shalt  }
0x40: {  	_ =	shalt  }
0x41: {  	_ =	shalt  }
0x42: {  	_ =	shalt  }
0x43: {  	_ =	shalt  }
0x44: {  	_ =	shalt  }
0x45: {  	_ =	shalt  }
0x46: {  	_ =	shalt  }
0x47: {  	_ =	shalt  }
0x48: {  	_ =	shalt  }
0x49: {  	_ =	shalt  }
0x4a: {  	_ =	shalt  }
0x4b: {  	_ =	shalt  }
0x4c: {  	_ =	shalt  }
0x4d: {  	_ =	shalt  }
0x4e: {  	_ =	shalt  }
0x4f: {  	_ =	shalt  }
0x50: {  	_ =	shalt  }
0x51: {  	_ =	shalt  }
0x52: {  	_ =	shalt  }
0x53: {  	_ =	shalt  }
0x54: {  	_ =	shalt  }
0x55: {  	_ =	shalt  }
0x56: {  	_ =	shalt  }
0x57: {  	_ =	shalt  }
0x58: {  	_ =	shalt  }
0x59: {  	_ =	shalt  }
0x5a: {  	_ =	shalt  }
0x5b: {  	_ =	shalt  }
0x5c: {  	_ =	shalt  }
0x5d: {  	_ =	shalt  }
0x5e: {  	_ =	shalt  }
0x5f: {  	_ =	shalt  }
0x60: {  	_ =	shalt  }
0x61: {  	_ =	shalt  }
0x62: {  	_ =	shalt  }
0x63: {  	_ =	shalt  }
0x64: {  	_ =	shalt  }
0x65: {  	_ =	shalt  }
0x66: {  	_ =	shalt  }
0x67: {  	_ =	shalt  }
0x68: {  	_ =	shalt  }
0x69: {  	_ =	shalt  }
0x6a: {  	_ =	shalt  }
0x6b: {  	_ =	shalt  }
0x6c: {  	_ =	shalt  }
0x6d: {  	_ =	shalt  }
0x6e: {  	_ =	shalt  }
0x6f: {  	_ =	shalt  }
0x70: {  	_ =	shalt  }
0x71: {  	_ =	shalt  }
0x72: {  	_ =	shalt  }
0x73: {  	_ =	shalt  }
0x74: {  	_ =	shalt  }
0x75: {  	_ =	shalt  }
0x76: {  	_ =	shalt  }
0x77: {  	_ =	shalt  }
0x78: {  	_ =	shalt  }
0x79: {  	_ =	shalt  }
0x7a: {  	_ =	shalt  }
0x7b: {  	_ =	shalt  }
0x7c: {  	_ =	shalt  }
0x7d: {  	_ =	shalt  }
0x7e: {  	_ =	shalt  }
0x7f: {  	_ =	shalt  }
0x80: {  	_ =	shalt  }
0x81: {  	_ =	shalt  }
0x82: {  	_ =	shalt  }
0x83: {  	_ =	shalt  }
0x84: {  	_ =	shalt  }
0x85: {  	_ =	shalt  }
0x86: {  	_ =	shalt  }
0x87: {  	_ =	shalt  }
.Lfunc_end0:
.L_simem_size_0:
called_computation.1_lowered:
.L_overlay_start_0:
0x88: {  	s2 =	sld [smem:$0x3FD9]  }
0x89: {  	s3 =	sld [smem:$0x3FFE];
	_ =	sdelay $0x1  }
0x8a: {  	s1 =	srdreg.scid  }
0x8b: {  	s0 =	sand.u32 $0x1, s1  }
0x8c: {  	s17 =	sshll.u32 s0, $0xA;
	s2 =	sadd.s32 s3, s2  }
0x8d: {  	s2 =	sadd.s32 s2, s17  }
0x8e: {  	[smem:$0x3FC6] =	sst s2  }
0x8f: {  	_ = 	snop  }
0x90: {  	s2 =	sld [smem:$0x3FD0];
	(tm) =	ssettm $0x1  }
0x91: {  	s18 =	sld [smem:$0x3FFB];
	_ =	sdelay $0x3  }
0x92: {  	_ =	strace s18  }
0x93: {  	s3 =	sld [smem:$0x3FFC];
	_ =	sdelay $0x3  }
0x94: {  	_ =	strace s3  }
0x95: {  	s3 =	sld [smem:$0x3FFD];
	_ =	sdelay $0x3  }
0x96: {  	_ =	strace s3  }
0x97: {  	_ =	strace $0x8FFFFFFF  }
0x98: {  	s19 =	sld [smem:$0x3FDB];
	_ =	sdelay $0x1  }
0x99: {  	s4 =	simm.s32 $_scs_section_size  }
0x9a: {  	s5 =	simm.s32 $_size__tile_overlayer_lowered;
	s6 =	simm.s32 $_tile_overlayer_lowered  }
0x9b: {  	s22 =	simm.s32 $0x1BFF;
	s21 =	sshll.u32 s6, $0x1;
	s3 =	sadd.s32 s4, s19  }
0x9c: {  	s7 =	simm.s32 $0x0;
	s20 =	sshll.u32 s5, $0x1;
	s5 =	sadd.s32 s21, s3  }
0x9d: {  	[timem:s7], [sflag:s22] =	dma.local [hbm:s5], s20  }
0x9e: {  	_ =	swait.ge [sflag:s22], s20  }
0x9f: {  	s4 =	ssub.s32 $0x0, s20;
	[sflag:s22] =	ssyncset.done $0x0  }
0xa0: {  	[sflag:s22] =	ssyncadd.s32 s4;
	_ =	sdelay $0x1  }
0xa1: {  	s23 =	simm.s32 $0x1B8B  }
0xa2: {  	_ =	swait.ge [sflag:s23], $0x1  }
0xa3: {  	[sflag:s23] =	ssyncset.done $0x0  }
0xa4: {  	s25 =	simm.s32 $0x1B8E;
	s24 =	sld [smem:$0x3FFE];
	[sflag:s23] =	ssyncadd.s32 $0xFFFFFFFF  }
0xa5: {  	s26 =	simm.s32 $execute0_lowered;
	[smem:$0x3FD2] =	sst s25  }
0xa6: {  	s5 =	sshll.u32 s26, $0x1;
	_ =	strace $0x80000046;
	[dreg:$0x1] =	wrdreg $0xFFFFFFFF  }
0xa7: {  	s28 =	simm.s32 $_size_execute0_lowered;
	s3 =	sadd.s32 s3, s5;
	[dreg:$0x0] =	wrdreg $0x0  }
0xa8: {  	s5 =	sshll.u32 s28, $0x1;
	[dreg:$0x2] =	wrdreg s3  }
0xa9: {  	[dreg:$0x3] =	wrdreg s5  }
0xaa: {  	[dreg:$0x4] =	wrdreg $0xC0  }
0xab: {  	_ =	task [dreg:s7], $0x5FFFF  }
0xac: {  	[dreg:$0x1] =	wrdreg $0xFFFFFFFF  }
0xad: {  	[dreg:$0x0] =	wrdreg $0x60  }
0xae: {  	[dreg:$0x2] =	wrdreg s24  }
0xaf: {  	[dreg:$0x3] =	wrdreg s2  }
0xb0: {  	[dreg:$0x4] =	wrdreg $0x9  }
0xb1: {  	_ =	task.clear_ibuf [dreg:s7], $0x5FFFF;
	_ =	strace $0x90000046  }
0xb2: {  	s29 =	simm.s32 $0x9;
	_ =	strace $0x80000048  }
0xb3: {  	_ =	swait.ge [sflag:s29], $0x1  }
0xb4: {  	[sflag:s29] =	ssyncadd.s32 $0xFFFFFFFF  }
0xb5: {  	_ =	strace $0x90000048  }
0xb6: {  	_ =	sfence  }
0xb7: {  	s30 =	sld [smem:$0x0];
	_ =	sdelay $0x2  }
0xb8: {  	s31 =	sshll.u32 s1, $0xD;
	s1 =	sshrl.u32 s1, $0x2  }
0xb9: {  	s3 =	sand.u32 $0x4000, s31;
	s1 =	sadd.s32 s1, s30  }
0xba: {  	s0 =	sor.u32 s3, s0;
	s1 =	sshll.u32 s1, $0x11  }
0xbb: {  	s0 =	sor.u32 s1, s0  }
0xbc: {  	s0 =	sadd.s32 $0x8F2B, s0  }
0xbd: {  	[sflag:s0] =	ssyncadd.remote.s32 $0x1  }
0xbe: {  	_ =	sfence.sel $0xFFFF  }
0xbf: {  	[dreg:$0x0] =	wrdreg $0xFFFFFFFF;
	(pc) =	sbr.abs _section_cstart, $3  }
0xc0: {  	[dreg:$0x1] =	wrdreg $0xFFFFFFFF  }
0xc1: {  	_ =	task.clear_ibuf [dreg:s7], $0x2FFFF;
	_ =	strace $0x9FFFFFFF  }
0xc2: {  	(tm) =	ssettm $0x7FFFFFFF  }
0xc3: {  	_ =	shalt  }
tec
execute0_lowered:
.L_overlay_start_1:
0x0: {  	(tag) =	ssettag $0x1  }
0x1: {  	s0 =	srdreg.scid;
	s1 =	rddreg [dreg:$0x0]  }
0x2: {  	s8 =	stileid.u32;
	s4 =	rddreg [dreg:$0x1]  }
0x3: {  	s15 =	simm.s32 $0x80;
	s16 =	simm.s32 $0x6400;
	s17 =	simm.s32 $0x8400  }
0x4: {  	s19 =	simm.s32 $0xA400;
	s28 =	simm.s32 $0x2;
	s30 =	simm.s32 $0x12400  }
0x5: {  	s0 =	sand.u32 $0x1, s0;
	s2 =	sshll.u32 s8, $0x1;
	s8 =	smul.u32 $0xC800, s8  }
0x6: {  	s3 =	sor.u32 s0, s2;
	s21 =	ssub.s32 $0x2, s0;
	s0 =	smul.u32 $0x6400, s0  }
0x7: {  	s18 =	simm.s32 $0x3;
	s29 =	simm.s32 $0x8;
	s5 =	smul.u32 $0x6400, s3  }
0x8: {  	s31 =	simm.s32 $0x0;
	s2 =	simm.s32 $0x0;
	s6 =	smul.u32 $0x32000, s3  }
0x9: {  	[smem:$0x7FF] =	sst s2;
	s7 =	smul.u32 $0x190000, s3;
	s10 =	sshrl.u32 s21, $0x1  }
0xa: {  	s3 =	sadd.s32 $0xF42E00, s1;
	_ =	strace $0x80000047;
	s22 =	ssub.s32 s21, s10  }
0xb: {  	s0 =	sadd.s32 s0, s8;
	s21 =	simm.s32 $0xC400;
	s20 =	sshrl.u32 s5, $0x3  }
0xc: {  	s6 =	sadd.s32 s4, s6;
	s24 =	sshrl.u32 s7, $0x3;
	s0 =	sshll.u32 s0, $0x3  }
0xd: {  	s9 =	sadd.s32 s20, s1;
	[dreg:$0x4] =	wrdreg s6;
	s6 =	sadd.s32 $0x800, s6  }
0xe: {  	s5 =	sadd.s32 s4, s24;
	s0 =	sadd.s32 s4, s0;
	s1 =	smax.u32 s22, $0x1  }
0xf: {  	s22 =	simm.s32 $0x1;
	s24 =	simm.s32 $0xE400;
	[dreg:$0x5] =	wrdreg s6  }
0x10: {  	s20 =	simm.s32 $0x6;
	s23 =	sadd.s32 $0xA00, s9;
	[dreg:$0x8] =	wrdreg s1  }
0x11: {  	s25 =	sadd.s32 $0x31000, s5;
	s5 =	sadd.s32 $0x31800, s5;
	[dreg:$0x3] =	wrdreg s23  }
0x12: {  	s26 =	sadd.s32 $0x1800, s0;
	s11 =	sadd.s32 $0x1000, s0;
	[dreg:$0x6] =	wrdreg s25  }
0x13: {  	s9 =	sadd.s32 $0x2800, s0;
	s13 =	sadd.s32 $0x2000, s0;
	[dreg:$0x7] =	wrdreg s5  }
0x14: {  	s1 =	simm.s32 $0x14400;
	s0 =	simm.s32 $0x5;
	[dreg:$0x9] =	wrdreg s26  }
0x15: {  	s26 =	simm.s32 $0x10400;
	s23 =	simm.s32 $0x4;
	s25 =	simm.s32 $0x7  }
.LBB2_1:
0x16: {  	s4 =	rddreg [dreg:$0x3];
	s10 =	simm.s32 $0x9  }
0x17: {  	[tilespmem:s2], [sflag:$0x9] =	stream.linear.gather [hbm4b:s4+s2], $0x6400, $0x38;
	[tilespmem:$0x16400] =	vst v63  }
0x18: {  	_ =	swait.ge [sflag:s10], $0x6400  }
0x19: {  	[sflag:s10] =	ssyncset.done $0x0  }
0x1a: {  	[sflag:s10] =	ssyncadd.s32 $0xFFFF9C00  }
0x1b: {  	[tilespmem:s16], [sflag:$0x1] =	stream.indirect.gather [hbm4b:s3+s15], $0x40, s2, s15, $0xb8;
	[tilespmem:$0x16400] =	vst v63  }
0x1c: {  	_ = 	snop  }
0x1d: {  	[tilespmem:s17], [sflag:$0x1] =	stream.indirect.gather [hbm4b:s3+s15], $0x40, s15, s15, $0xb8;
	[tilespmem:$0x16400] =	vst v63  }
0x1e: {  	s12 =	simm.s32 $0x100  }
0x1f: {  	[tilespmem:s19], [sflag:$0x2] =	stream.indirect.gather [hbm4b:s3+s15], $0x40, s12, s15, $0xb8;
	[tilespmem:$0x16400] =	vst v63  }
0x20: {  	s14 =	simm.s32 $0x180  }
0x21: {  	[tilespmem:s21], [sflag:$0x2] =	stream.indirect.gather [hbm4b:s3+s15], $0x40, s14, s15, $0xb8;
	[tilespmem:$0x16400] =	vst v63  }
0x22: {  	_ =	swait.ge [sflag:s22], $0x2000  }
0x23: {  	[sflag:s22] =	ssyncset.done $0x0  }
0x24: {  	[sflag:s22] =	ssyncadd.s32 $0xFFFFE000  }
0x25: {  	_ =	swait.ge [sflag:s22], $0x2000  }
0x26: {  	[sflag:s22] =	ssyncset.done $0x0  }
0x27: {  	s5 =	rddreg [dreg:$0x4];
	[sflag:s22] =	ssyncadd.s32 $0xFFFFE000  }
0x28: {  	[hbm4b:s5+s2] =	stream.linear.scatter [tilespmem:s16], [sflag:$0x5], $0x4000, $0x38;
	[tilespmem:$0x16400] =	vst v63  }
0x29: {  	s6 =	simm.s32 $0x200  }
0x2a: {  	[tilespmem:s24], [sflag:$0x3] =	stream.indirect.gather [hbm4b:s3+s15], $0x40, s6, s15, $0xb8;
	[tilespmem:$0x16400] =	vst v63  }
0x2b: {  	s7 =	simm.s32 $0x280  }
0x2c: {  	[tilespmem:s26], [sflag:$0x3] =	stream.indirect.gather [hbm4b:s3+s15], $0x40, s7, s15, $0xb8;
	[tilespmem:$0x16400] =	vst v63  }
0x2d: {  	_ =	swait.ge [sflag:s28], $0x2000  }
0x2e: {  	[sflag:s28] =	ssyncset.done $0x0  }
0x2f: {  	[sflag:s28] =	ssyncadd.s32 $0xFFFFE000  }
0x30: {  	_ =	swait.ge [sflag:s28], $0x2000  }
0x31: {  	[sflag:s28] =	ssyncset.done $0x0  }
0x32: {  	s8 =	rddreg [dreg:$0x5];
	[sflag:s28] =	ssyncadd.s32 $0xFFFFE000  }
0x33: {  	[hbm4b:s8+s2] =	stream.linear.scatter [tilespmem:s19], [sflag:$0x6], $0x4000, $0x38;
	[tilespmem:$0x16400] =	vst v63  }
0x34: {  	s10 =	simm.s32 $0x300  }
0x35: {  	[tilespmem:s30], [sflag:$0x4] =	stream.indirect.gather [hbm4b:s3+s15], $0x40, s10, s15, $0xb8;
	[tilespmem:$0x16400] =	vst v63  }
0x36: {  	s12 =	simm.s32 $0x380  }
0x37: {  	[tilespmem:s1], [sflag:$0x4] =	stream.indirect.gather [hbm4b:s3+s15], $0x40, s12, s15, $0xb8;
	[tilespmem:$0x16400] =	vst v63  }
0x38: {  	_ =	swait.ge [sflag:s0], $0x4000  }
0x39: {  	[sflag:s0] =	ssyncset.done $0x0  }
0x3a: {  	s14 =	simm.s32 $0x400;
	[sflag:s0] =	ssyncadd.s32 $0xFFFFC000  }
0x3b: {  	[tilespmem:s16], [sflag:$0x1] =	stream.indirect.gather [hbm4b:s3+s15], $0x40, s14, s15, $0xb8;
	[tilespmem:$0x16400] =	vst v63  }
0x3c: {  	s5 =	simm.s32 $0x480  }
0x3d: {  	[tilespmem:s17], [sflag:$0x1] =	stream.indirect.gather [hbm4b:s3+s15], $0x40, s5, s15, $0xb8;
	[tilespmem:$0x16400] =	vst v63  }
0x3e: {  	_ =	swait.ge [sflag:s18], $0x2000  }
0x3f: {  	[sflag:s18] =	ssyncset.done $0x0  }
0x40: {  	[sflag:s18] =	ssyncadd.s32 $0xFFFFE000  }
0x41: {  	_ =	swait.ge [sflag:s18], $0x2000  }
0x42: {  	[sflag:s18] =	ssyncset.done $0x0  }
0x43: {  	[sflag:s18] =	ssyncadd.s32 $0xFFFFE000  }
0x44: {  	[hbm4b:s11+s2] =	stream.linear.scatter [tilespmem:s24], [sflag:$0x7], $0x4000, $0x38;
	[tilespmem:$0x16400] =	vst v63  }
0x45: {  	_ =	swait.ge [sflag:s20], $0x4000  }
0x46: {  	[sflag:s20] =	ssyncset.done $0x0  }
0x47: {  	s6 =	simm.s32 $0x500;
	[sflag:s20] =	ssyncadd.s32 $0xFFFFC000  }
0x48: {  	[tilespmem:s19], [sflag:$0x2] =	stream.indirect.gather [hbm4b:s3+s15], $0x40, s6, s15, $0xb8;
	[tilespmem:$0x16400] =	vst v63  }
0x49: {  	s7 =	simm.s32 $0x580  }
0x4a: {  	[tilespmem:s21], [sflag:$0x2] =	stream.indirect.gather [hbm4b:s3+s15], $0x40, s7, s15, $0xb8;
	[tilespmem:$0x16400] =	vst v63  }
0x4b: {  	_ =	swait.ge [sflag:s23], $0x2000  }
0x4c: {  	[sflag:s23] =	ssyncset.done $0x0  }
0x4d: {  	[sflag:s23] =	ssyncadd.s32 $0xFFFFE000  }
0x4e: {  	_ =	swait.ge [sflag:s23], $0x2000  }
0x4f: {  	[sflag:s23] =	ssyncset.done $0x0  }
0x50: {  	s5 =	rddreg [dreg:$0x9];
	[sflag:s23] =	ssyncadd.s32 $0xFFFFE000  }
0x51: {  	[hbm4b:s5+s2] =	stream.linear.scatter [tilespmem:s30], [sflag:$0x8], $0x4000, $0x38;
	[tilespmem:$0x16400] =	vst v63  }
0x52: {  	_ =	swait.ge [sflag:s25], $0x4000  }
0x53: {  	[sflag:s25] =	ssyncset.done $0x0  }
0x54: {  	s8 =	simm.s32 $0x600;
	[sflag:s25] =	ssyncadd.s32 $0xFFFFC000  }
0x55: {  	[tilespmem:s24], [sflag:$0x3] =	stream.indirect.gather [hbm4b:s3+s15], $0x40, s8, s15, $0xb8;
	[tilespmem:$0x16400] =	vst v63  }
0x56: {  	s10 =	simm.s32 $0x680  }
0x57: {  	[tilespmem:s26], [sflag:$0x3] =	stream.indirect.gather [hbm4b:s3+s15], $0x40, s10, s15, $0xb8;
	[tilespmem:$0x16400] =	vst v63  }
0x58: {  	_ =	swait.ge [sflag:s22], $0x2000  }
0x59: {  	[sflag:s22] =	ssyncset.done $0x0  }
0x5a: {  	[sflag:s22] =	ssyncadd.s32 $0xFFFFE000  }
0x5b: {  	_ =	swait.ge [sflag:s22], $0x2000  }
0x5c: {  	[sflag:s22] =	ssyncset.done $0x0  }
0x5d: {  	[sflag:s22] =	ssyncadd.s32 $0xFFFFE000  }
0x5e: {  	[hbm4b:s13+s2] =	stream.linear.scatter [tilespmem:s16], [sflag:$0x5], $0x4000, $0x38;
	[tilespmem:$0x16400] =	vst v63  }
0x5f: {  	_ =	swait.ge [sflag:s29], $0x4000  }
0x60: {  	[sflag:s29] =	ssyncset.done $0x0  }
0x61: {  	s12 =	simm.s32 $0x700;
	[sflag:s29] =	ssyncadd.s32 $0xFFFFC000  }
0x62: {  	[tilespmem:s30], [sflag:$0x4] =	stream.indirect.gather [hbm4b:s3+s15], $0x40, s12, s15, $0xb8;
	[tilespmem:$0x16400] =	vst v63  }
0x63: {  	s14 =	simm.s32 $0x780  }
0x64: {  	[tilespmem:s1], [sflag:$0x4] =	stream.indirect.gather [hbm4b:s3+s15], $0x40, s14, s15, $0xb8;
	[tilespmem:$0x16400] =	vst v63  }
0x65: {  	_ =	swait.ge [sflag:s28], $0x2000  }
0x66: {  	[sflag:s28] =	ssyncset.done $0x0  }
0x67: {  	[sflag:s28] =	ssyncadd.s32 $0xFFFFE000  }
0x68: {  	s4 =	simm.s32 $0x1000;
	s6 =	sadd.s32 $0x2000, s9;
	_ =	swait.ge [sflag:s28], $0x2000  }
0x69: {  	s7 =	sadd.s32 $0x2000, s13;
	s8 =	sadd.s32 $0x2000, s5;
	[sflag:s28] =	ssyncset.done $0x0  }
0x6a: {  	s5 =	sadd.s32 $0x2000, s11;
	s12 =	smov.u32 s9;
	[sflag:s28] =	ssyncadd.s32 $0xFFFFE000  }
.LBB2_2:
0x6b: {  	[hbm4b:s12+s2] =	stream.linear.scatter [tilespmem:s19], [sflag:$0x6], $0x4000, $0x38;
	[tilespmem:$0x16400] =	vst v63  }
0x6c: {  	s14 =	smov.u32 s4;
	s12 =	smov.u32 s6  }
0x6d: {  	p0 =	sne.s32 s4, $0x17000;
	s4 =	sadd.s32 $0x1000, s4;
	_ =	swait.ge [sflag:s0], $0x4000  }
0x6e: {  	s14 =	sshra.s32 s14, $0x2;
	[sflag:s0] =	ssyncset.done $0x0  }
0x6f: {  	s10 =	sadd.s32 $0x400, s14;
	[sflag:s0] =	ssyncadd.s32 $0xFFFFC000  }
0x70: {  	[tilespmem:s16], [sflag:$0x1] =	stream.indirect.gather [hbm4b:s3+s15], $0x40, s10, s15, $0xb8;
	[tilespmem:$0x16400] =	vst v63  }
0x71: {  	s10 =	sadd.s32 $0x480, s14  }
0x72: {  	[tilespmem:s17], [sflag:$0x1] =	stream.indirect.gather [hbm4b:s3+s15], $0x40, s10, s15, $0xb8;
	[tilespmem:$0x16400] =	vst v63  }
0x73: {  	_ =	swait.ge [sflag:s18], $0x2000  }
0x74: {  	[sflag:s18] =	ssyncset.done $0x0  }
0x75: {  	[sflag:s18] =	ssyncadd.s32 $0xFFFFE000  }
0x76: {  	_ =	swait.ge [sflag:s18], $0x2000  }
0x77: {  	[sflag:s18] =	ssyncset.done $0x0  }
0x78: {  	[sflag:s18] =	ssyncadd.s32 $0xFFFFE000  }
0x79: {  	[hbm4b:s5+s2] =	stream.linear.scatter [tilespmem:s24], [sflag:$0x7], $0x4000, $0x38;
	[tilespmem:$0x16400] =	vst v63  }
0x7a: {  	_ =	swait.ge [sflag:s20], $0x4000  }
0x7b: {  	[sflag:s20] =	ssyncset.done $0x0  }
0x7c: {  	s10 =	sadd.s32 $0x500, s14;
	[sflag:s20] =	ssyncadd.s32 $0xFFFFC000  }
0x7d: {  	[tilespmem:s19], [sflag:$0x2] =	stream.indirect.gather [hbm4b:s3+s15], $0x40, s10, s15, $0xb8;
	[tilespmem:$0x16400] =	vst v63  }
0x7e: {  	s10 =	sadd.s32 $0x580, s14  }
0x7f: {  	[tilespmem:s21], [sflag:$0x2] =	stream.indirect.gather [hbm4b:s3+s15], $0x40, s10, s15, $0xb8;
	[tilespmem:$0x16400] =	vst v63  }
0x80: {  	_ =	swait.ge [sflag:s23], $0x2000  }
0x81: {  	[sflag:s23] =	ssyncset.done $0x0  }
0x82: {  	[sflag:s23] =	ssyncadd.s32 $0xFFFFE000  }
0x83: {  	_ =	swait.ge [sflag:s23], $0x2000  }
0x84: {  	[sflag:s23] =	ssyncset.done $0x0  }
0x85: {  	[sflag:s23] =	ssyncadd.s32 $0xFFFFE000  }
0x86: {  	[hbm4b:s8+s2] =	stream.linear.scatter [tilespmem:s30], [sflag:$0x8], $0x4000, $0x38;
	[tilespmem:$0x16400] =	vst v63  }
0x87: {  	_ =	swait.ge [sflag:s25], $0x4000  }
0x88: {  	[sflag:s25] =	ssyncset.done $0x0  }
0x89: {  	s10 =	sadd.s32 $0x600, s14;
	[sflag:s25] =	ssyncadd.s32 $0xFFFFC000  }
0x8a: {  	[tilespmem:s24], [sflag:$0x3] =	stream.indirect.gather [hbm4b:s3+s15], $0x40, s10, s15, $0xb8;
	[tilespmem:$0x16400] =	vst v63  }
0x8b: {  	s10 =	sadd.s32 $0x680, s14  }
0x8c: {  	[tilespmem:s26], [sflag:$0x3] =	stream.indirect.gather [hbm4b:s3+s15], $0x40, s10, s15, $0xb8;
	[tilespmem:$0x16400] =	vst v63  }
0x8d: {  	_ =	swait.ge [sflag:s22], $0x2000  }
0x8e: {  	[sflag:s22] =	ssyncset.done $0x0  }
0x8f: {  	[sflag:s22] =	ssyncadd.s32 $0xFFFFE000  }
0x90: {  	_ =	swait.ge [sflag:s22], $0x2000  }
0x91: {  	[sflag:s22] =	ssyncset.done $0x0  }
0x92: {  	[sflag:s22] =	ssyncadd.s32 $0xFFFFE000  }
0x93: {  	[hbm4b:s7+s2] =	stream.linear.scatter [tilespmem:s16], [sflag:$0x5], $0x4000, $0x38;
	[tilespmem:$0x16400] =	vst v63  }
0x94: {  	_ =	swait.ge [sflag:s29], $0x4000  }
0x95: {  	[sflag:s29] =	ssyncset.done $0x0  }
0x96: {  	s10 =	sadd.s32 $0x700, s14;
	[sflag:s29] =	ssyncadd.s32 $0xFFFFC000  }
0x97: {  	[tilespmem:s30], [sflag:$0x4] =	stream.indirect.gather [hbm4b:s3+s15], $0x40, s10, s15, $0xb8;
	[tilespmem:$0x16400] =	vst v63  }
0x98: {  	s10 =	sadd.s32 $0x780, s14  }
0x99: {  	[tilespmem:s1], [sflag:$0x4] =	stream.indirect.gather [hbm4b:s3+s15], $0x40, s10, s15, $0xb8;
	[tilespmem:$0x16400] =	vst v63  }
0x9a: {  	_ =	swait.ge [sflag:s28], $0x2000  }
.Ltmp0:
0x9b: {  	[sflag:s28] =	ssyncset.done $0x0;
	(pc) =	sbr.rel @p0 .LBB2_2-.Ltmp0, $4  }
0x9c: {  	[sflag:s28] =	ssyncadd.s32 $0xFFFFE000  }
0x9d: {  	_ =	swait.ge [sflag:s28], $0x2000  }
0x9e: {  	s6 =	sadd.s32 $0x2000, s6;
	s7 =	sadd.s32 $0x2000, s7;
	[sflag:s28] =	ssyncset.done $0x0  }
0x9f: {  	s5 =	sadd.s32 $0x2000, s5;
	s8 =	sadd.s32 $0x2000, s8;
	[sflag:s28] =	ssyncadd.s32 $0xFFFFE000  }
0xa0: {  	[hbm4b:s12+s2] =	stream.linear.scatter [tilespmem:s19], [sflag:$0x6], $0x4000, $0x38;
	[tilespmem:$0x16400] =	vst v63  }
0xa1: {  	_ =	swait.ge [sflag:s18], $0x2000  }
0xa2: {  	[sflag:s18] =	ssyncset.done $0x0  }
0xa3: {  	[sflag:s18] =	ssyncadd.s32 $0xFFFFE000  }
0xa4: {  	_ =	swait.ge [sflag:s18], $0x2000  }
0xa5: {  	[sflag:s18] =	ssyncset.done $0x0  }
0xa6: {  	s4 =	rddreg [dreg:$0x6];
	[sflag:s18] =	ssyncadd.s32 $0xFFFFE000  }
0xa7: {  	[hbm4b:s4+s2] =	stream.linear.scatter [tilespmem:s24], [sflag:$0x7], $0x4000, $0x38;
	[tilespmem:$0x16400] =	vst v63  }
0xa8: {  	_ =	swait.ge [sflag:s23], $0x2000  }
0xa9: {  	[sflag:s23] =	ssyncset.done $0x0  }
0xaa: {  	[sflag:s23] =	ssyncadd.s32 $0xFFFFE000  }
0xab: {  	_ =	swait.ge [sflag:s23], $0x2000  }
0xac: {  	[sflag:s23] =	ssyncset.done $0x0  }
0xad: {  	s12 =	rddreg [dreg:$0x7];
	[sflag:s23] =	ssyncadd.s32 $0xFFFFE000  }
0xae: {  	[hbm4b:s12+s2] =	stream.linear.scatter [tilespmem:s30], [sflag:$0x8], $0x4000, $0x38;
	[tilespmem:$0x16400] =	vst v63  }
0xaf: {  	_ =	swait.ge [sflag:s0], $0x4000  }
0xb0: {  	[sflag:s0] =	ssyncset.done $0x0  }
0xb1: {  	[sflag:s0] =	ssyncadd.s32 $0xFFFFC000  }
0xb2: {  	_ =	swait.ge [sflag:s20], $0x4000  }
0xb3: {  	[sflag:s20] =	ssyncset.done $0x0  }
0xb4: {  	[sflag:s20] =	ssyncadd.s32 $0xFFFFC000  }
0xb5: {  	_ =	swait.ge [sflag:s25], $0x4000  }
0xb6: {  	[sflag:s25] =	ssyncset.done $0x0  }
0xb7: {  	[sflag:s25] =	ssyncadd.s32 $0xFFFFC000  }
0xb8: {  	_ =	swait.ge [sflag:s29], $0x4000  }
0xb9: {  	s31 =	sadd.s32 $0x1, s31;
	s14 =	rddreg [dreg:$0x8]  }
0xba: {  	p0 =	sne.s32 s31, s14  }
.Ltmp1:
0xbb: {  	_ = 	snop;
	(pc) =	sbr.rel @p0 .LBB2_1-.Ltmp1, $3  }
0xbc: {  	_ =	sdelay $0x1  }
0xbd: {  	[sflag:s29] =	ssyncset.done $0x0  }
0xbe: {  	[sflag:s29] =	ssyncadd.s32 $0xFFFFC000  }
0xbf: {  	_ =	sfence.sel $0x180000  }
0xc0: {  	[bflag:$0x0] =	sbarrier.arrive $0xFFFF  }
0xc1: {  	_ =	strace $0x90000047  }
0xc2: {  	s0 =	stileid.u32;
	[bflag:$0x2] =	sbarrier.arrive $0xFFFF  }
0xc3: {  	p0 =	sne.s32 s0, $0x0;
	s0 =	rddreg [dreg:$0x2]  }
0xc4: {  	s0 =	sadd.s32 @!p0 $0x100000, s0  }
0xc5: {  	[sflag:s0] =	ssyncadd.tile.s32 @!p0 $0x1;
	_ =	shalt  }
.Lfunc_end2:
_tile_overlayer_lowered:
.L_overlay_start_2:
0xc6: {  	(tag) =	ssettag $0x2  }
0xc7: {  	s0 =	rddreg [dreg:$0x0];
	s2 =	stileid.u32  }
0xc8: {  	s1 =	rddreg [dreg:$0x1];
	p0 =	sne.s32 s2, $0x0  }
0xc9: {  	s3 =	rddreg [dreg:$0x2];
	[bflag:$0x3] =	sbarrier.arrive $0xFFFF;
	s2 =	simm.s32 @!p0 $0x1C09  }
0xca: {  	[timem:s3], [sflag:s2] =	dma.local @!p0 [hbm:s0], s1  }
0xcb: {  	s0 =	simm.s32 @!p0 $0x9  }
0xcc: {  	_ =	swait.ge @!p0 [sflag:s0], s1  }
0xcd: {  	s1 =	ssub.s32 @!p0 $0x0, s1;
	[sflag:s0] =	ssyncset.done @!p0 $0x0  }
0xce: {  	[sflag:s0] =	ssyncadd.s32 @!p0 s1  }
0xcf: {  	[bflag:$0x3] =	sbarrier.arrive $0xFFFF  }
0xd0: {  	_ =	shalt  }

// kernel: sparse-core-data-format-call.cloned.1.call-start
scs
called_computation_lowered:
.L_overlay_start_0:
0x0: {  	s2 =	sld [smem:$0x3FD9]  }
0x1: {  	s3 =	sld [smem:$0x3FFE];
	_ =	sdelay $0x1  }
0x2: {  	s1 =	srdreg.scid  }
0x3: {  	s0 =	sand.u32 $0x1, s1  }
0x4: {  	s18 =	sshll.u32 s0, $0xA;
	s2 =	sadd.s32 s3, s2  }
0x5: {  	s2 =	sadd.s32 s2, s18  }
0x6: {  	[smem:$0x3FC6] =	sst s2  }
0x7: {  	_ = 	snop  }
0x8: {  	s2 =	sld [smem:$0x3FD0];
	(tm) =	ssettm $0x1  }
0x9: {  	s19 =	sld [smem:$0x3FFB];
	_ =	sdelay $0x3  }
0xa: {  	_ =	strace s19  }
0xb: {  	s3 =	sld [smem:$0x3FFC];
	_ =	sdelay $0x3  }
0xc: {  	_ =	strace s3  }
0xd: {  	s3 =	sld [smem:$0x3FFD];
	_ =	sdelay $0x3  }
0xe: {  	_ =	strace s3  }
0xf: {  	_ =	strace $0x8FFFFFFF  }
0x10: {  	s20 =	sld [smem:$0x3FDB];
	_ =	sdelay $0x1  }
0x11: {  	s4 =	simm.s32 $_scs_section_size  }
0x12: {  	s5 =	simm.s32 $_size__tile_overlayer_lowered;
	s6 =	simm.s32 $_tile_overlayer_lowered  }
0x13: {  	s23 =	simm.s32 $0x1BFF;
	s22 =	sshll.u32 s6, $0x1;
	s3 =	sadd.s32 s4, s20  }
0x14: {  	s7 =	simm.s32 $0x0;
	s21 =	sshll.u32 s5, $0x1;
	s5 =	sadd.s32 s22, s3  }
0x15: {  	[timem:s7], [sflag:s23] =	dma.local [hbm:s5], s21  }
0x16: {  	_ =	swait.ge [sflag:s23], s21  }
0x17: {  	s4 =	ssub.s32 $0x0, s21;
	[sflag:s23] =	ssyncset.done $0x0  }
0x18: {  	[sflag:s23] =	ssyncadd.s32 s4;
	_ =	sdelay $0x1  }
0x19: {  	s24 =	simm.s32 $0x1B8B  }
0x1a: {  	_ =	swait.ge [sflag:s24], $0x1  }
0x1b: {  	[sflag:s24] =	ssyncset.done $0x0  }
0x1c: {  	s26 =	simm.s32 $0x1B8E;
	s25 =	sld [smem:$0x3FFE];
	[sflag:s24] =	ssyncadd.s32 $0xFFFFFFFF  }
0x1d: {  	s27 =	simm.s32 $execute0_lowered;
	[smem:$0x3FD2] =	sst s26  }
0x1e: {  	s5 =	sshll.u32 s27, $0x1;
	_ =	strace $0x80000049;
	[dreg:$0x1] =	wrdreg $0xFFFFFFFF  }
0x1f: {  	s28 =	simm.s32 $_size_execute0_lowered;
	s3 =	sadd.s32 s3, s5;
	[dreg:$0x0] =	wrdreg $0x0  }
0x20: {  	s5 =	sshll.u32 s28, $0x1;
	[dreg:$0x2] =	wrdreg s3  }
0x21: {  	[dreg:$0x3] =	wrdreg s5  }
0x22: {  	[dreg:$0x4] =	wrdreg $0xC0  }
0x23: {  	_ =	task [dreg:s7], $0x5FFFF  }
0x24: {  	[dreg:$0x1] =	wrdreg $0xFFFFFFFF  }
0x25: {  	[dreg:$0x0] =	wrdreg $0x60  }
0x26: {  	[dreg:$0x2] =	wrdreg s25  }
0x27: {  	[dreg:$0x3] =	wrdreg s2  }
0x28: {  	[dreg:$0x4] =	wrdreg $0x9  }
0x29: {  	_ =	task.clear_ibuf [dreg:s7], $0x5FFFF;
	_ =	strace $0x90000049  }
0x2a: {  	s29 =	simm.s32 $0x9;
	_ =	strace $0x8000004B  }
0x2b: {  	_ =	swait.ge [sflag:s29], $0x1  }
0x2c: {  	[sflag:s29] =	ssyncadd.s32 $0xFFFFFFFF  }
0x2d: {  	_ =	strace $0x9000004B  }
0x2e: {  	_ =	sfence  }
0x2f: {  	s30 =	sld [smem:$0x0];
	_ =	sdelay $0x2  }
0x30: {  	s31 =	sshll.u32 s1, $0xD;
	s1 =	sshrl.u32 s1, $0x2  }
0x31: {  	s3 =	sand.u32 $0x4000, s31;
	s1 =	sadd.s32 s1, s30  }
0x32: {  	s0 =	sor.u32 s3, s0;
	s1 =	sshll.u32 s1, $0x11  }
0x33: {  	s0 =	sor.u32 s1, s0  }
0x34: {  	s0 =	sadd.s32 $0x8F2B, s0  }
0x35: {  	[sflag:s0] =	ssyncadd.remote.s32 $0x1  }
0x36: {  	_ =	sfence.sel $0xFFFF  }
0x37: {  	[dreg:$0x0] =	wrdreg $0xFFFFFFFF;
	(pc) =	sbr.abs _section_cstart, $3  }
0x38: {  	[dreg:$0x1] =	wrdreg $0xFFFFFFFF  }
0x39: {  	_ =	task.clear_ibuf [dreg:s7], $0x2FFFF;
	_ =	strace $0x9FFFFFFF  }
0x3a: {  	(tm) =	ssettm $0x7FFFFFFF  }
0x3b: {  	_ =	shalt  }
tec
execute0_lowered:
.L_overlay_start_1:
0x0: {  	(tag) =	ssettag $0x1  }
0x1: {  	s0 =	srdreg.scid  }
0x2: {  	s1 =	sshll.u32 s0, $0x4  }
0x3: {  	s0 =	stileid.u32;
	s1 =	sand.u32 $0x10, s1  }
0x4: {  	s1 =	sor.u32 s0, s1  }
0x5: {  	s6 =	rddreg [dreg:$0x0];
	s4 =	simm.s32 $0x1;
	s2 =	sshll.u32 s1, $0x7  }
0x6: {  	s7 =	simm.s32 $0x2;
	s12 =	simm.s32 $0x0;
	s1 =	ssub.s32 $0x4000, s2  }
0x7: {  	s8 =	simm.s32 $0x20000;
	s13 =	simm.s32 $0x0;
	s3 =	sand.u32 $0xF80, s1  }
0x8: {  	s9 =	simm.s32 $0x0;
	s5 =	sshrl.u32 s1, $0xC;
	p0 =	sne.s32 s3, $0x0  }
.Ltmp0:
0x9: {  	s1 =	rddreg [dreg:$0x2];
	s4 =	simm.s32 @!p0 $0x0;
	(pc) =	sbr.rel .LBB1_1-.Ltmp0, $4  }
0xa: {  	s11 =	simm.s32 $0x0;
	s3 =	rddreg [dreg:$0x1];
	s5 =	sadd.s32 s4, s5  }
0xb: {  	_ =	strace $0x8000004A;
	s4 =	simm.s32 $0x1;
	s5 =	smul.u32 $0x32, s5  }
0xc: {  	s6 =	sadd.s32 $0xA00, s6;
	s10 =	smov.u32 s2;
	[sflag:s4] =	ssyncpa.u1 $0x0  }
0xd: {  	p0 =	por $0x0, $0x0;
	[sflag:s7] =	ssyncpa.u1 $0x0;
	s7 =	sor.u32 $0x1, s5  }
.LBB1_4:
0xe: {  	s16 =	sshll.u32 s13, $0x3;
	s17 =	sand.u32 $0x78, s13  }
0xf: {  	s30 =	sand.u32 $0x1F800, s13;
	s12 =	sshll.u32 s12, $0x11;
	s16 =	sand.u32 $0x3C00, s16  }
0x10: {  	[tilespmem:s15+$0x810 ss:$0x81] =	vst.msk $0xffff, v2;
	s31 =	sand.u32 $0x7, s13;
	s16 =	sor.u32 s17, s16;
	s17 =	sadd.s32 s3, s30  }
0x11: {  	[tilespmem:s15+$0x1020 ss:$0x81] =	vst.msk $0xffff, v0;
	s13 =	sshll.u32 s31, $0x12;
	s12 =	sadd.s32 s12, s17;
	s16 =	sshrl.u32 s16, $0x3  }
0x12: {  	[tilespmem:s15+$0x0 ss:$0x81] =	vst.msk $0xffff, v1;
	s13 =	sor.u32 $0x400, s13;
	s12 =	sadd.s32 s16, s12  }
0x13: {  	[hbm4b:s12+s13] =	stream.strided.scatter [tilespmem:s14], [sflag:$0x2], $0x2000, s8, s13, $0x20;
	[tilespmem:$0x8080] =	vst v63  }
.LBB1_5:
0x14: {  	s14 =	sadd.s32 $0x1, s9  }
0x15: {  	s12 =	sadd.s32 $0x1000, s10;
	s16 =	smov.u32 s10;
	p2 =	sgt.s32 s14, $0x31  }
0x16: {  	s16 =	smov.u32 @p2 s12  }
0x17: {  	s14 =	simm.s32 @p2 $0x0;
	p2 =	sgt.s32 s16, $0x3FFF  }
0x18: {  	s16 =	smov.u32 @p2 s2;
	p2 =	sne.s32 s11, s7  }
.Ltmp1:
0x19: {  	p1 =	slt.u32 s11, $0x2;
	(pc) =	sbr.rel @!p2 .LBB1_6-.Ltmp1, $4  }
0x1a: {  	s15 =	simm.s32 @!p1 $0x2  }
0x1b: {  	s13 =	smov.u32 s10;
	p0 =	por !p0, !p0;
	_ =	swait.ge @!p1 [sflag:s15], $0x2000  }
0x1c: {  	s12 =	smov.u32 s9;
	[sflag:s15] =	ssyncset.done @!p1 $0x0;
	s9 =	smov.u32 s14  }
0x1d: {  	s11 =	sadd.s32 $0x1, s11;
	[sflag:s15] =	ssyncadd.s32 @!p1 $0xFFFFE000;
	s10 =	smov.u32 s16  }
.LBB1_1:
0x1e: {  	p1 =	sge.u32 s11, s5  }
0x1f: {  	s14 =	sand.u32 @!p1 $0x1FFFFFF, s9  }
0x20: {  	s15 =	smulhi.u32 @!p1 $0x4924925, s14;
	_ =	sdelay $0x1  }
0x21: {  	s15 =	smul.u32 @!p1 $0x38, s15  }
0x22: {  	s16 =	sxor.u32 @!p1 $0xFFFFFFFF, s11;
	s17 =	smul.u32 @!p1 $0x380, s10  }
0x23: {  	s31 =	sadd.s32 $0xFFFFFFFF, s11;
	s16 =	sshll.u32 @!p1 s16, $0xD;
	s14 =	ssub.s32 @!p1 s14, s15  }
0x24: {  	s15 =	sand.u32 @!p1 $0x2000, s16;
	s16 =	sadd.s32 @!p1 s6, s17;
	s14 =	sshll.u32 @!p1 s14, $0x4  }
0x25: {  	s17 =	simm.s32 @!p1 $0x1C00;
	s14 =	sadd.s32 @!p1 s14, s16;
	s16 =	simm.s32 @!p1 $0x40  }
0x26: {  	[tilespmem:s15], [sflag:$0x1] =	stream.strided.gather @!p1 [hbm4b:s14+s16], $0x2000, s17, s16, $0x38;
	[tilespmem:$0x8080] =	vst v63  }
0x27: {  	p1 =	sge.u32 s31, s5  }
.Ltmp2:
0x28: {  	_ = 	snop;
	(pc) =	sbr.rel @p1 .LBB1_5-.Ltmp2, $1  }
0x29: {  	_ =	sdelay $0x3  }
0x2a: {  	s14 =	simm.s32 $0x1  }
0x2b: {  	_ =	swait.ge [sflag:s4], $0x2000;
	s14 =	simm.s32 @!p0 $0x0  }
0x2c: {  	[sflag:s4] =	ssyncset.done $0x0;
	s15 =	sshll.u32 s14, $0xD  }
0x2d: {  	[sflag:s4] =	ssyncadd.s32 $0xFFFFE000;
	s18 =	sor.u32 $0x20, s15  }
0x2e: {  	s14 =	smul.u32 $0x8100, s14;
	v3 =	vld [tilespmem:s18+$0x10]  }
0x2f: {  	s30 =	sand.u32 $0x1, s11;
	v2 =	vld [tilespmem:s18+$0xFFFFFFF0]  }
0x30: {  	s15 =	smul.u32 $0x8100, s30;
	s14 =	sshrl.u32 s14, $0x2;
	v0 =	vld [tilespmem:s18+$0x0]  }
0x31: {  	v1 =	vld [tilespmem:s18+$0xFFFFFFE0];
	s16 =	sor.u32 $0x4000, s14  }
0x32: {  	s31 =	sshrl.u32 s15, $0x2;
	s15 =	sadd.s32 $0x0, s16  }
0x33: {  	s17 =	simm.s32 $0x4;
	s18 =	sadd.s32 $0x40, s18;
	s14 =	sor.u32 $0x4000, s31;
	[tilespmem:s15+$0x1830 ss:$0x81] =	vst.msk $0xffff, v3  }
.LBB1_3:
0x34: {  	v3 =	vld [tilespmem:s18+$0x10];
	p1 =	sne.s32 s17, $0x1FC;
	[tilespmem:s15+$0x810 ss:$0x81] =	vst.msk $0xffff, v2;
	s19 =	smov.u32 s17;
	s17 =	sadd.s32 $0x4, s17  }
.Ltmp3:
0x35: {  	v2 =	vld [tilespmem:s18+$0xFFFFFFF0];
	[tilespmem:s15+$0x1020 ss:$0x81] =	vst.msk $0xffff, v0;
	(pc) =	sbr.rel @p1 .LBB1_3-.Ltmp3, $4  }
0x36: {  	v0 =	vld [tilespmem:s18+$0x0];
	[tilespmem:s15+$0x0 ss:$0x81] =	vst.msk $0xffff, v1  }
0x37: {  	s15 =	sshra.s32 s19, $0x2;
	v1 =	vld [tilespmem:s18+$0xFFFFFFE0]  }
0x38: {  	s15 =	sadd.s32 s15, s16  }
0x39: {  	s18 =	sadd.s32 $0x40, s18;
	[tilespmem:s15+$0x1830 ss:$0x81] =	vst.msk $0xffff, v3  }
.Ltmp4:
0x3a: {  	_ = 	snop;
	(pc) =	sbr.rel .LBB1_4-.Ltmp4, $1  }
0x3b: {  	_ =	sdelay $0x3  }
.LBB1_6:
0x3c: {  	_ =	sfence.sel $0x180000  }
0x3d: {  	s2 =	simm.s32 $0x1;
	[bflag:$0x0] =	sbarrier.arrive $0xFFFF  }
0x3e: {  	s31 =	simm.s32 $0x2;
	[sflag:s2] =	ssyncpa.u1 $0x1  }
0x3f: {  	[sflag:s31] =	ssyncpa.u1 $0x1  }
0x40: {  	p0 =	sne.s32 s0, $0x0;
	_ =	strace $0x9000004A  }
0x41: {  	s0 =	sadd.s32 @!p0 $0x100000, s1;
	[bflag:$0x2] =	sbarrier.arrive $0xFFFF  }
0x42: {  	[sflag:s0] =	ssyncadd.tile.s32 @!p0 $0x1;
	_ =	shalt  }
.Lfunc_end1:
_tile_overlayer_lowered:
.L_overlay_start_2:
0x43: {  	(tag) =	ssettag $0x2  }
0x44: {  	s0 =	rddreg [dreg:$0x0];
	s2 =	stileid.u32  }
0x45: {  	s1 =	rddreg [dreg:$0x1];
	p0 =	sne.s32 s2, $0x0  }
0x46: {  	s3 =	rddreg [dreg:$0x2];
	[bflag:$0x3] =	sbarrier.arrive $0xFFFF;
	s2 =	simm.s32 @!p0 $0x1C01  }
0x47: {  	[timem:s3], [sflag:s2] =	dma.local @!p0 [hbm:s0], s1  }
0x48: {  	s0 =	simm.s32 @!p0 $0x1  }
0x49: {  	_ =	swait.ge @!p0 [sflag:s0], s1  }
0x4a: {  	s1 =	ssub.s32 @!p0 $0x0, s1;
	[sflag:s0] =	ssyncset.done @!p0 $0x0  }
0x4b: {  	[sflag:s0] =	ssyncadd.s32 @!p0 s1  }
0x4c: {  	[bflag:$0x3] =	sbarrier.arrive $0xFFFF  }
0x4d: {  	_ =	shalt  }

</sc_bundles>
